<compile_context>
chip_gen: v7x
topology: tpu7x:2x2x1
jax: 0.10.2.dev20260603
libtpu: 0.0.44.dev20260713+nightly
codegen_flags: <defaults>
</compile_context>

<pallas_src>
import jax
import jax.numpy as jnp
from jax import lax
from jax.experimental import pallas as pl
from jax.experimental.pallas import tpu as pltpu
from jax.experimental.pallas import tpu_sc as plsc

D = 64
_NC, _NS = 2, 16
_NW = _NC * _NS
_LANES = 16


def _sc_gather_body(table_hbm, idx_hbm, out_hbm, idx_v, row_v, out0_v, out1_v,
                    sem, sem_o):
    wid = lax.axis_index("s") * _NC + lax.axis_index("c")
    n_idx = idx_hbm.shape[0]
    rows_per_w = table_hbm.shape[0] // _NW
    pltpu.sync_copy(idx_hbm, idx_v)
    outs = (out0_v, out1_v)
    cps = []
    for r in range(rows_per_w):
        d = wid * rows_per_w + r
        out_v = outs[r % 2]
        pltpu.async_copy(table_hbm.at[d], row_v, sem).wait()

        def body(i, _):
            iv = idx_v[pl.ds(i * _LANES, _LANES)]
            out_v[pl.ds(i * _LANES, _LANES)] = plsc.load_gather(row_v, [iv])
            return 0

        lax.fori_loop(0, n_idx // _LANES, body, 0, unroll=16)
        cps.append(pltpu.async_copy(out_v, out_hbm.at[d], sem_o))
    for cp in cps:
        cp.wait()


def _tc_body(ht_ref, tt_ref, m2t_ref, gt_ref, o_ref):
    ht = ht_ref[...].astype(jnp.bfloat16)
    tt = tt_ref[...].astype(jnp.bfloat16)
    st = jnp.dot(m2t_ref[...], ht,
                 preferred_element_type=jnp.float32).astype(jnp.bfloat16)
    trep = pltpu.repeat(tt, st.shape[0] // D, axis=0)
    o_ref[...] = jnp.dot(gt_ref[...], st * trep,
                         preferred_element_type=jnp.float32)


def _tc_call(gathered_t, M):
    K = M.shape[0]
    B = gathered_t.shape[1] // 2
    m2t = M.transpose(0, 2, 1).reshape(K * D, D).astype(jnp.bfloat16)
    gt = jnp.repeat(jnp.eye(K, dtype=jnp.bfloat16), D, axis=1)

    BT = 1024
    n_bt = B // BT
    out_t = pl.pallas_call(
        _tc_body,
        grid=(n_bt,),
        in_specs=[
            pl.BlockSpec((D, BT), lambda i: (0, i)),
            pl.BlockSpec((D, BT), lambda i: (0, i + n_bt)),
            pl.BlockSpec((K * D, D), lambda i: (0, 0)),
            pl.BlockSpec((K, K * D), lambda i: (0, 0)),
        ],
        out_specs=pl.BlockSpec((K, BT), lambda i: (0, i)),
        out_shape=jax.ShapeDtypeStruct((K, B), jnp.float32),
    )(gathered_t, gathered_t, m2t, gt)
    return out_t.T


def kernel(data, E_record, M):
    B = data.shape[1]
    n_rows = 2 * B
    idx = data.reshape(-1).astype(jnp.int32)
    table_t = E_record.T

    sc_gather = pl.kernel(
        _sc_gather_body,
        out_type=jax.ShapeDtypeStruct((D, n_rows), jnp.float32),
        mesh=plsc.VectorSubcoreMesh(core_axis_name="c", subcore_axis_name="s"),
        scratch_types=[
            pltpu.VMEM((n_rows,), jnp.int32),
            pltpu.VMEM((E_record.shape[0],), jnp.float32),
            pltpu.VMEM((n_rows,), jnp.float32),
            pltpu.VMEM((n_rows,), jnp.float32),
            pltpu.SemaphoreType.DMA,
            pltpu.SemaphoreType.DMA,
        ],
        compiler_params=pltpu.CompilerParams(needs_layout_passes=False),
    )
    gathered_t = sc_gather(table_t, idx)
    return _tc_call(gathered_t, M)

# --- scband reference (transcript-rebuilt; emitter-appended) ---
"""Pipeline reference for scband-csmddi-31258771980720 (READ-ONLY COPY).

The authoritative reference and input builder live on the scoring server;
editing this copy changes nothing except your own understanding.
"""

import jax, jax.numpy as jnp
import numpy as np

N_ENT = 100000
N_REL = 86
DIM = 64
BATCH = 4096

def setup_inputs(seed: int = 0) -> dict:
    key = jax.random.key(seed)
    k1, k2, k3 = jax.random.split(key, 3)
    data = jax.random.randint(k1, (2, BATCH), 0, N_ENT, dtype=jnp.int64)
    E_record = jax.random.normal(k2, (N_ENT, DIM), dtype=jnp.float32)
    # xavier-uniform-like init for M
    bound = float(np.sqrt(6.0 / (DIM + DIM)))
    M = jax.random.uniform(k3, (N_REL, DIM, DIM), dtype=jnp.float32, minval=-bound, maxval=bound)
    return {"data": data, "E_record": E_record, "M": M}

def reference(data, E_record, M):
    # pred = (E_record[data[0]] @ M * E_record[data[1]]).sum(-1).T
    e_head = jnp.take(E_record, data[0], axis=0)          # [B, d] gather
    e_tail = jnp.take(E_record, data[1], axis=0)          # [B, d] gather
    scored = jnp.matmul(e_head, M)                        # broadcast: [K, B, d]
    pred = (scored * e_tail[None, :, :]).sum(-1)          # [K, B]
    return pred.T                                         # [B, K]

if __name__ == "__main__":
    import jax
    _d = setup_inputs()
    print(jax.jit(kernel)(*tuple(_d.values())))

</pallas_src>

<mosaic_0001>
#map = affine_map<(d0, d1) -> (0, 0)>
#map1 = affine_map<(d0, d1) -> (0)>
module attributes {stable_mosaic.version = 14 : i64} {
  func.func @_sc_gather_body(%arg0: i32, %arg1: i32, %arg2: memref<64x100000xf32, #tpu.memory_space<hbm>>, %arg3: memref<8192xi32, #tpu.memory_space<hbm>>, %arg4: memref<64x8192xf32, #tpu.memory_space<hbm>>, %arg5: memref<8192xi32, #tpu.memory_space<vmem>>, %arg6: memref<100000xf32, #tpu.memory_space<vmem>>, %arg7: memref<8192xf32, #tpu.memory_space<vmem>>, %arg8: memref<8192xf32, #tpu.memory_space<vmem>>, %arg9: memref<!tpu.dma_semaphore, #tpu.memory_space<semaphore_mem>>, %arg10: memref<!tpu.dma_semaphore, #tpu.memory_space<semaphore_mem>>) attributes {dimension_semantics = [#tpu.dimension_semantics<core_parallel>, #tpu.dimension_semantics<subcore_parallel>], iteration_bounds = array<i64: 2, 16>, scalar_prefetch = 0 : i64, scratch_operands = 6 : i64, tpu.core_type = #tpu.core_type<sc_vector_subcore>, window_params = [{transform_indices = #map}, {transform_indices = #map1}, {transform_indices = #map}]} {
    %mul3A = arith.constant 2 : i32
    %mul3A_0 = arith.muli %arg1, %mul3A : i32
    %add3A = arith.addi %mul3A_0, %arg0 : i32
    "tpu.region"() ({
      %run_scoped3A = tpu.sem_alloc : memref<!tpu.dma_semaphore, #tpu.memory_space<semaphore_mem>>
      tpu.enqueue_dma source(%arg3 : memref<8192xi32, #tpu.memory_space<hbm>>) target(%arg5 : memref<8192xi32, #tpu.memory_space<vmem>>) target_semaphore(%run_scoped3A : memref<!tpu.dma_semaphore, #tpu.memory_space<semaphore_mem>>)
      tpu.wait_dma2 semaphore(%run_scoped3A : memref<!tpu.dma_semaphore, #tpu.memory_space<semaphore_mem>>) src(%arg3 : memref<8192xi32, #tpu.memory_space<hbm>>) dst(%arg5 : memref<8192xi32, #tpu.memory_space<vmem>>)
      tpu.yield
    }) : () -> ()
    %mul3A_1 = arith.constant 2 : i32
    %mul3A_2 = arith.muli %add3A, %mul3A_1 : i32
    %add3A_3 = arith.constant 0 : i32
    %add3A_4 = arith.addi %mul3A_2, %add3A_3 : i32
    %dma_start3A = arith.constant 0 : i32
    %dma_start3A_5 = tpu.memref_slice %arg2[%add3A_4, %dma_start3A] : memref<64x100000xf32, #tpu.memory_space<hbm>> -> memref<1x100000xf32, #tpu.memory_space<hbm>>
    %dma_start3A_6 = tpu.memref_squeeze %dma_start3A_5 : memref<1x100000xf32, #tpu.memory_space<hbm>> -> memref<100000xf32, #tpu.memory_space<hbm>>
    %dma_start3A_7 = arith.constant 0 : i32
    %dma_start3A_8 = tpu.memref_slice %arg2[%add3A_4, %dma_start3A_7] : memref<64x100000xf32, #tpu.memory_space<hbm>> -> memref<1x100000xf32, #tpu.memory_space<hbm>>
    %dma_start3A_9 = tpu.memref_squeeze %dma_start3A_8 : memref<1x100000xf32, #tpu.memory_space<hbm>> -> memref<100000xf32, #tpu.memory_space<hbm>>
    tpu.enqueue_dma source(%dma_start3A_9 : memref<100000xf32, #tpu.memory_space<hbm>>) target(%arg6 : memref<100000xf32, #tpu.memory_space<vmem>>) target_semaphore(%arg9 : memref<!tpu.dma_semaphore, #tpu.memory_space<semaphore_mem>>)
    %dma_wait3A = arith.constant 0 : i32
    %dma_wait3A_10 = tpu.memref_slice %arg2[%add3A_4, %dma_wait3A] : memref<64x100000xf32, #tpu.memory_space<hbm>> -> memref<1x100000xf32, #tpu.memory_space<hbm>>
    %dma_wait3A_11 = tpu.memref_squeeze %dma_wait3A_10 : memref<1x100000xf32, #tpu.memory_space<hbm>> -> memref<100000xf32, #tpu.memory_space<hbm>>
    %dma_wait3A_12 = arith.constant 0 : i32
    %dma_wait3A_13 = tpu.memref_slice %arg2[%add3A_4, %dma_wait3A_12] : memref<64x100000xf32, #tpu.memory_space<hbm>> -> memref<1x100000xf32, #tpu.memory_space<hbm>>
    %dma_wait3A_14 = tpu.memref_squeeze %dma_wait3A_13 : memref<1x100000xf32, #tpu.memory_space<hbm>> -> memref<100000xf32, #tpu.memory_space<hbm>>
    tpu.wait_dma2 semaphore(%arg9 : memref<!tpu.dma_semaphore, #tpu.memory_space<semaphore_mem>>) src(%dma_wait3A_14 : memref<100000xf32, #tpu.memory_space<hbm>>) dst(%arg6 : memref<100000xf32, #tpu.memory_space<vmem>>)
    %scan3A = arith.constant 0 : i32
    %scan3A_15 = arith.constant 0 : i32
    %scan3A_16 = arith.constant 512 : i32
    %scan3A_17 = arith.addi %scan3A_15, %scan3A_16 : i32
    %scan3A_18 = arith.constant 16 : i32
    %scan3A_19 = scf.for %scan3A_68 = %scan3A_15 to %scan3A_17 step %scan3A_18 iter_args(%scan3A_69 = %scan3A) -> (i32)  : i32 {
      %mul3A_70 = arith.constant 16 : i32
      %mul3A_71 = arith.muli %scan3A_68, %mul3A_70 : i32
      %get3A = arith.index_cast %mul3A_71 : i32 to index
      %get3A_72 = tpu.vector_load %arg5[%get3A] {strides = array<i32>} : memref<8192xi32, #tpu.memory_space<vmem>>, vector<16xi32>,
      %gather3A = tpu.vector_load_idx %arg6[%get3A_72] : memref<100000xf32, #tpu.memory_space<vmem>>[vector<16xi32>], vector<16xf32>,
      %mul3A_73 = arith.constant 16 : i32
      %mul3A_74 = arith.muli %scan3A_68, %mul3A_73 : i32
      %swap3A = arith.index_cast %mul3A_74 : i32 to index
      %swap3A_75 = tpu.vector_load %arg7[%swap3A] {strides = array<i32>} : memref<8192xf32, #tpu.memory_space<vmem>>, vector<16xf32>,
      tpu.vector_store %arg7[%swap3A], %gather3A {strides = array<i32>} : memref<8192xf32, #tpu.memory_space<vmem>>, vector<16xf32>,
      %scan3A_76 = arith.constant 0 : i32
      %scan3A_77 = arith.constant 1 : i32
      %scan3A_78 = arith.addi %scan3A_68, %scan3A_77 : i32
      %mul3A_79 = arith.constant 16 : i32
      %mul3A_80 = arith.muli %scan3A_78, %mul3A_79 : i32
      %get3A_81 = arith.index_cast %mul3A_80 : i32 to index
      %get3A_82 = tpu.vector_load %arg5[%get3A_81] {strides = array<i32>} : memref<8192xi32, #tpu.memory_space<vmem>>, vector<16xi32>,
      %gather3A_83 = tpu.vector_load_idx %arg6[%get3A_82] : memref<100000xf32, #tpu.memory_space<vmem>>[vector<16xi32>], vector<16xf32>,
      %mul3A_84 = arith.constant 16 : i32
      %mul3A_85 = arith.muli %scan3A_78, %mul3A_84 : i32
      %swap3A_86 = arith.index_cast %mul3A_85 : i32 to index
      %swap3A_87 = tpu.vector_load %arg7[%swap3A_86] {strides = array<i32>} : memref<8192xf32, #tpu.memory_space<vmem>>, vector<16xf32>,
      tpu.vector_store %arg7[%swap3A_86], %gather3A_83 {strides = array<i32>} : memref<8192xf32, #tpu.memory_space<vmem>>, vector<16xf32>,
      %scan3A_88 = arith.constant 0 : i32
      %scan3A_89 = arith.constant 2 : i32
      %scan3A_90 = arith.addi %scan3A_68, %scan3A_89 : i32
      %mul3A_91 = arith.constant 16 : i32
      %mul3A_92 = arith.muli %scan3A_90, %mul3A_91 : i32
      %get3A_93 = arith.index_cast %mul3A_92 : i32 to index
      %get3A_94 = tpu.vector_load %arg5[%get3A_93] {strides = array<i32>} : memref<8192xi32, #tpu.memory_space<vmem>>, vector<16xi32>,
      %gather3A_95 = tpu.vector_load_idx %arg6[%get3A_94] : memref<100000xf32, #tpu.memory_space<vmem>>[vector<16xi32>], vector<16xf32>,
      %mul3A_96 = arith.constant 16 : i32
      %mul3A_97 = arith.muli %scan3A_90, %mul3A_96 : i32
      %swap3A_98 = arith.index_cast %mul3A_97 : i32 to index
      %swap3A_99 = tpu.vector_load %arg7[%swap3A_98] {strides = array<i32>} : memref<8192xf32, #tpu.memory_space<vmem>>, vector<16xf32>,
      tpu.vector_store %arg7[%swap3A_98], %gather3A_95 {strides = array<i32>} : memref<8192xf32, #tpu.memory_space<vmem>>, vector<16xf32>,
      %scan3A_100 = arith.constant 0 : i32
      %scan3A_101 = arith.constant 3 : i32
      %scan3A_102 = arith.addi %scan3A_68, %scan3A_101 : i32
      %mul3A_103 = arith.constant 16 : i32
      %mul3A_104 = arith.muli %scan3A_102, %mul3A_103 : i32
      %get3A_105 = arith.index_cast %mul3A_104 : i32 to index
      %get3A_106 = tpu.vector_load %arg5[%get3A_105] {strides = array<i32>} : memref<8192xi32, #tpu.memory_space<vmem>>, vector<16xi32>,
      %gather3A_107 = tpu.vector_load_idx %arg6[%get3A_106] : memref<100000xf32, #tpu.memory_space<vmem>>[vector<16xi32>], vector<16xf32>,
      %mul3A_108 = arith.constant 16 : i32
      %mul3A_109 = arith.muli %scan3A_102, %mul3A_108 : i32
      %swap3A_110 = arith.index_cast %mul3A_109 : i32 to index
      %swap3A_111 = tpu.vector_load %arg7[%swap3A_110] {strides = array<i32>} : memref<8192xf32, #tpu.memory_space<vmem>>, vector<16xf32>,
      tpu.vector_store %arg7[%swap3A_110], %gather3A_107 {strides = array<i32>} : memref<8192xf32, #tpu.memory_space<vmem>>, vector<16xf32>,
      %scan3A_112 = arith.constant 0 : i32
      %scan3A_113 = arith.constant 4 : i32
      %scan3A_114 = arith.addi %scan3A_68, %scan3A_113 : i32
      %mul3A_115 = arith.constant 16 : i32
      %mul3A_116 = arith.muli %scan3A_114, %mul3A_115 : i32
      %get3A_117 = arith.index_cast %mul3A_116 : i32 to index
      %get3A_118 = tpu.vector_load %arg5[%get3A_117] {strides = array<i32>} : memref<8192xi32, #tpu.memory_space<vmem>>, vector<16xi32>,
      %gather3A_119 = tpu.vector_load_idx %arg6[%get3A_118] : memref<100000xf32, #tpu.memory_space<vmem>>[vector<16xi32>], vector<16xf32>,
      %mul3A_120 = arith.constant 16 : i32
      %mul3A_121 = arith.muli %scan3A_114, %mul3A_120 : i32
      %swap3A_122 = arith.index_cast %mul3A_121 : i32 to index
      %swap3A_123 = tpu.vector_load %arg7[%swap3A_122] {strides = array<i32>} : memref<8192xf32, #tpu.memory_space<vmem>>, vector<16xf32>,
      tpu.vector_store %arg7[%swap3A_122], %gather3A_119 {strides = array<i32>} : memref<8192xf32, #tpu.memory_space<vmem>>, vector<16xf32>,
      %scan3A_124 = arith.constant 0 : i32
      %scan3A_125 = arith.constant 5 : i32
      %scan3A_126 = arith.addi %scan3A_68, %scan3A_125 : i32
      %mul3A_127 = arith.constant 16 : i32
      %mul3A_128 = arith.muli %scan3A_126, %mul3A_127 : i32
      %get3A_129 = arith.index_cast %mul3A_128 : i32 to index
      %get3A_130 = tpu.vector_load %arg5[%get3A_129] {strides = array<i32>} : memref<8192xi32, #tpu.memory_space<vmem>>, vector<16xi32>,
      %gather3A_131 = tpu.vector_load_idx %arg6[%get3A_130] : memref<100000xf32, #tpu.memory_space<vmem>>[vector<16xi32>], vector<16xf32>,
      %mul3A_132 = arith.constant 16 : i32
      %mul3A_133 = arith.muli %scan3A_126, %mul3A_132 : i32
      %swap3A_134 = arith.index_cast %mul3A_133 : i32 to index
      %swap3A_135 = tpu.vector_load %arg7[%swap3A_134] {strides = array<i32>} : memref<8192xf32, #tpu.memory_space<vmem>>, vector<16xf32>,
      tpu.vector_store %arg7[%swap3A_134], %gather3A_131 {strides = array<i32>} : memref<8192xf32, #tpu.memory_space<vmem>>, vector<16xf32>,
      %scan3A_136 = arith.constant 0 : i32
      %scan3A_137 = arith.constant 6 : i32
      %scan3A_138 = arith.addi %scan3A_68, %scan3A_137 : i32
      %mul3A_139 = arith.constant 16 : i32
      %mul3A_140 = arith.muli %scan3A_138, %mul3A_139 : i32
      %get3A_141 = arith.index_cast %mul3A_140 : i32 to index
      %get3A_142 = tpu.vector_load %arg5[%get3A_141] {strides = array<i32>} : memref<8192xi32, #tpu.memory_space<vmem>>, vector<16xi32>,
      %gather3A_143 = tpu.vector_load_idx %arg6[%get3A_142] : memref<100000xf32, #tpu.memory_space<vmem>>[vector<16xi32>], vector<16xf32>,
      %mul3A_144 = arith.constant 16 : i32
      %mul3A_145 = arith.muli %scan3A_138, %mul3A_144 : i32
      %swap3A_146 = arith.index_cast %mul3A_145 : i32 to index
      %swap3A_147 = tpu.vector_load %arg7[%swap3A_146] {strides = array<i32>} : memref<8192xf32, #tpu.memory_space<vmem>>, vector<16xf32>,
      tpu.vector_store %arg7[%swap3A_146], %gather3A_143 {strides = array<i32>} : memref<8192xf32, #tpu.memory_space<vmem>>, vector<16xf32>,
      %scan3A_148 = arith.constant 0 : i32
      %scan3A_149 = arith.constant 7 : i32
      %scan3A_150 = arith.addi %scan3A_68, %scan3A_149 : i32
      %mul3A_151 = arith.constant 16 : i32
      %mul3A_152 = arith.muli %scan3A_150, %mul3A_151 : i32
      %get3A_153 = arith.index_cast %mul3A_152 : i32 to index
      %get3A_154 = tpu.vector_load %arg5[%get3A_153] {strides = array<i32>} : memref<8192xi32, #tpu.memory_space<vmem>>, vector<16xi32>,
      %gather3A_155 = tpu.vector_load_idx %arg6[%get3A_154] : memref<100000xf32, #tpu.memory_space<vmem>>[vector<16xi32>], vector<16xf32>,
      %mul3A_156 = arith.constant 16 : i32
      %mul3A_157 = arith.muli %scan3A_150, %mul3A_156 : i32
      %swap3A_158 = arith.index_cast %mul3A_157 : i32 to index
      %swap3A_159 = tpu.vector_load %arg7[%swap3A_158] {strides = array<i32>} : memref<8192xf32, #tpu.memory_space<vmem>>, vector<16xf32>,
      tpu.vector_store %arg7[%swap3A_158], %gather3A_155 {strides = array<i32>} : memref<8192xf32, #tpu.memory_space<vmem>>, vector<16xf32>,
      %scan3A_160 = arith.constant 0 : i32
      %scan3A_161 = arith.constant 8 : i32
      %scan3A_162 = arith.addi %scan3A_68, %scan3A_161 : i32
      %mul3A_163 = arith.constant 16 : i32
      %mul3A_164 = arith.muli %scan3A_162, %mul3A_163 : i32
      %get3A_165 = arith.index_cast %mul3A_164 : i32 to index
      %get3A_166 = tpu.vector_load %arg5[%get3A_165] {strides = array<i32>} : memref<8192xi32, #tpu.memory_space<vmem>>, vector<16xi32>,
      %gather3A_167 = tpu.vector_load_idx %arg6[%get3A_166] : memref<100000xf32, #tpu.memory_space<vmem>>[vector<16xi32>], vector<16xf32>,
      %mul3A_168 = arith.constant 16 : i32
      %mul3A_169 = arith.muli %scan3A_162, %mul3A_168 : i32
      %swap3A_170 = arith.index_cast %mul3A_169 : i32 to index
      %swap3A_171 = tpu.vector_load %arg7[%swap3A_170] {strides = array<i32>} : memref<8192xf32, #tpu.memory_space<vmem>>, vector<16xf32>,
      tpu.vector_store %arg7[%swap3A_170], %gather3A_167 {strides = array<i32>} : memref<8192xf32, #tpu.memory_space<vmem>>, vector<16xf32>,
      %scan3A_172 = arith.constant 0 : i32
      %scan3A_173 = arith.constant 9 : i32
      %scan3A_174 = arith.addi %scan3A_68, %scan3A_173 : i32
      %mul3A_175 = arith.constant 16 : i32
      %mul3A_176 = arith.muli %scan3A_174, %mul3A_175 : i32
      %get3A_177 = arith.index_cast %mul3A_176 : i32 to index
      %get3A_178 = tpu.vector_load %arg5[%get3A_177] {strides = array<i32>} : memref<8192xi32, #tpu.memory_space<vmem>>, vector<16xi32>,
      %gather3A_179 = tpu.vector_load_idx %arg6[%get3A_178] : memref<100000xf32, #tpu.memory_space<vmem>>[vector<16xi32>], vector<16xf32>,
      %mul3A_180 = arith.constant 16 : i32
      %mul3A_181 = arith.muli %scan3A_174, %mul3A_180 : i32
      %swap3A_182 = arith.index_cast %mul3A_181 : i32 to index
      %swap3A_183 = tpu.vector_load %arg7[%swap3A_182] {strides = array<i32>} : memref<8192xf32, #tpu.memory_space<vmem>>, vector<16xf32>,
      tpu.vector_store %arg7[%swap3A_182], %gather3A_179 {strides = array<i32>} : memref<8192xf32, #tpu.memory_space<vmem>>, vector<16xf32>,
      %scan3A_184 = arith.constant 0 : i32
      %scan3A_185 = arith.constant 10 : i32
      %scan3A_186 = arith.addi %scan3A_68, %scan3A_185 : i32
      %mul3A_187 = arith.constant 16 : i32
      %mul3A_188 = arith.muli %scan3A_186, %mul3A_187 : i32
      %get3A_189 = arith.index_cast %mul3A_188 : i32 to index
      %get3A_190 = tpu.vector_load %arg5[%get3A_189] {strides = array<i32>} : memref<8192xi32, #tpu.memory_space<vmem>>, vector<16xi32>,
      %gather3A_191 = tpu.vector_load_idx %arg6[%get3A_190] : memref<100000xf32, #tpu.memory_space<vmem>>[vector<16xi32>], vector<16xf32>,
      %mul3A_192 = arith.constant 16 : i32
      %mul3A_193 = arith.muli %scan3A_186, %mul3A_192 : i32
      %swap3A_194 = arith.index_cast %mul3A_193 : i32 to index
      %swap3A_195 = tpu.vector_load %arg7[%swap3A_194] {strides = array<i32>} : memref<8192xf32, #tpu.memory_space<vmem>>, vector<16xf32>,
      tpu.vector_store %arg7[%swap3A_194], %gather3A_191 {strides = array<i32>} : memref<8192xf32, #tpu.memory_space<vmem>>, vector<16xf32>,
      %scan3A_196 = arith.constant 0 : i32
      %scan3A_197 = arith.constant 11 : i32
      %scan3A_198 = arith.addi %scan3A_68, %scan3A_197 : i32
      %mul3A_199 = arith.constant 16 : i32
      %mul3A_200 = arith.muli %scan3A_198, %mul3A_199 : i32
      %get3A_201 = arith.index_cast %mul3A_200 : i32 to index
      %get3A_202 = tpu.vector_load %arg5[%get3A_201] {strides = array<i32>} : memref<8192xi32, #tpu.memory_space<vmem>>, vector<16xi32>,
      %gather3A_203 = tpu.vector_load_idx %arg6[%get3A_202] : memref<100000xf32, #tpu.memory_space<vmem>>[vector<16xi32>], vector<16xf32>,
      %mul3A_204 = arith.constant 16 : i32
      %mul3A_205 = arith.muli %scan3A_198, %mul3A_204 : i32
      %swap3A_206 = arith.index_cast %mul3A_205 : i32 to index
      %swap3A_207 = tpu.vector_load %arg7[%swap3A_206] {strides = array<i32>} : memref<8192xf32, #tpu.memory_space<vmem>>, vector<16xf32>,
      tpu.vector_store %arg7[%swap3A_206], %gather3A_203 {strides = array<i32>} : memref<8192xf32, #tpu.memory_space<vmem>>, vector<16xf32>,
      %scan3A_208 = arith.constant 0 : i32
      %scan3A_209 = arith.constant 12 : i32
      %scan3A_210 = arith.addi %scan3A_68, %scan3A_209 : i32
      %mul3A_211 = arith.constant 16 : i32
      %mul3A_212 = arith.muli %scan3A_210, %mul3A_211 : i32
      %get3A_213 = arith.index_cast %mul3A_212 : i32 to index
      %get3A_214 = tpu.vector_load %arg5[%get3A_213] {strides = array<i32>} : memref<8192xi32, #tpu.memory_space<vmem>>, vector<16xi32>,
      %gather3A_215 = tpu.vector_load_idx %arg6[%get3A_214] : memref<100000xf32, #tpu.memory_space<vmem>>[vector<16xi32>], vector<16xf32>,
      %mul3A_216 = arith.constant 16 : i32
      %mul3A_217 = arith.muli %scan3A_210, %mul3A_216 : i32
      %swap3A_218 = arith.index_cast %mul3A_217 : i32 to index
      %swap3A_219 = tpu.vector_load %arg7[%swap3A_218] {strides = array<i32>} : memref<8192xf32, #tpu.memory_space<vmem>>, vector<16xf32>,
      tpu.vector_store %arg7[%swap3A_218], %gather3A_215 {strides = array<i32>} : memref<8192xf32, #tpu.memory_space<vmem>>, vector<16xf32>,
      %scan3A_220 = arith.constant 0 : i32
      %scan3A_221 = arith.constant 13 : i32
      %scan3A_222 = arith.addi %scan3A_68, %scan3A_221 : i32
      %mul3A_223 = arith.constant 16 : i32
      %mul3A_224 = arith.muli %scan3A_222, %mul3A_223 : i32
      %get3A_225 = arith.index_cast %mul3A_224 : i32 to index
      %get3A_226 = tpu.vector_load %arg5[%get3A_225] {strides = array<i32>} : memref<8192xi32, #tpu.memory_space<vmem>>, vector<16xi32>,
      %gather3A_227 = tpu.vector_load_idx %arg6[%get3A_226] : memref<100000xf32, #tpu.memory_space<vmem>>[vector<16xi32>], vector<16xf32>,
      %mul3A_228 = arith.constant 16 : i32
      %mul3A_229 = arith.muli %scan3A_222, %mul3A_228 : i32
      %swap3A_230 = arith.index_cast %mul3A_229 : i32 to index
      %swap3A_231 = tpu.vector_load %arg7[%swap3A_230] {strides = array<i32>} : memref<8192xf32, #tpu.memory_space<vmem>>, vector<16xf32>,
      tpu.vector_store %arg7[%swap3A_230], %gather3A_227 {strides = array<i32>} : memref<8192xf32, #tpu.memory_space<vmem>>, vector<16xf32>,
      %scan3A_232 = arith.constant 0 : i32
      %scan3A_233 = arith.constant 14 : i32
      %scan3A_234 = arith.addi %scan3A_68, %scan3A_233 : i32
      %mul3A_235 = arith.constant 16 : i32
      %mul3A_236 = arith.muli %scan3A_234, %mul3A_235 : i32
      %get3A_237 = arith.index_cast %mul3A_236 : i32 to index
      %get3A_238 = tpu.vector_load %arg5[%get3A_237] {strides = array<i32>} : memref<8192xi32, #tpu.memory_space<vmem>>, vector<16xi32>,
      %gather3A_239 = tpu.vector_load_idx %arg6[%get3A_238] : memref<100000xf32, #tpu.memory_space<vmem>>[vector<16xi32>], vector<16xf32>,
      %mul3A_240 = arith.constant 16 : i32
      %mul3A_241 = arith.muli %scan3A_234, %mul3A_240 : i32
      %swap3A_242 = arith.index_cast %mul3A_241 : i32 to index
      %swap3A_243 = tpu.vector_load %arg7[%swap3A_242] {strides = array<i32>} : memref<8192xf32, #tpu.memory_space<vmem>>, vector<16xf32>,
      tpu.vector_store %arg7[%swap3A_242], %gather3A_239 {strides = array<i32>} : memref<8192xf32, #tpu.memory_space<vmem>>, vector<16xf32>,
      %scan3A_244 = arith.constant 0 : i32
      %scan3A_245 = arith.constant 15 : i32
      %scan3A_246 = arith.addi %scan3A_68, %scan3A_245 : i32
      %mul3A_247 = arith.constant 16 : i32
      %mul3A_248 = arith.muli %scan3A_246, %mul3A_247 : i32
      %get3A_249 = arith.index_cast %mul3A_248 : i32 to index
      %get3A_250 = tpu.vector_load %arg5[%get3A_249] {strides = array<i32>} : memref<8192xi32, #tpu.memory_space<vmem>>, vector<16xi32>,
      %gather3A_251 = tpu.vector_load_idx %arg6[%get3A_250] : memref<100000xf32, #tpu.memory_space<vmem>>[vector<16xi32>], vector<16xf32>,
      %mul3A_252 = arith.constant 16 : i32
      %mul3A_253 = arith.muli %scan3A_246, %mul3A_252 : i32
      %swap3A_254 = arith.index_cast %mul3A_253 : i32 to index
      %swap3A_255 = tpu.vector_load %arg7[%swap3A_254] {strides = array<i32>} : memref<8192xf32, #tpu.memory_space<vmem>>, vector<16xf32>,
      tpu.vector_store %arg7[%swap3A_254], %gather3A_251 {strides = array<i32>} : memref<8192xf32, #tpu.memory_space<vmem>>, vector<16xf32>,
      %scan3A_256 = arith.constant 0 : i32
      scf.yield %scan3A_256 : i32
    }
    %scan3A_20 = arith.constant 512 : i32
    %dma_start3A_21 = arith.constant 0 : i32
    %dma_start3A_22 = tpu.memref_slice %arg4[%add3A_4, %dma_start3A_21] : memref<64x8192xf32, #tpu.memory_space<hbm>> -> memref<1x8192xf32, #tpu.memory_space<hbm>>
    %dma_start3A_23 = tpu.memref_squeeze %dma_start3A_22 : memref<1x8192xf32, #tpu.memory_space<hbm>> -> memref<8192xf32, #tpu.memory_space<hbm>>
    %dma_start3A_24 = arith.constant 0 : i32
    %dma_start3A_25 = tpu.memref_slice %arg4[%add3A_4, %dma_start3A_24] : memref<64x8192xf32, #tpu.memory_space<hbm>> -> memref<1x8192xf32, #tpu.memory_space<hbm>>
    %dma_start3A_26 = tpu.memref_squeeze %dma_start3A_25 : memref<1x8192xf32, #tpu.memory_space<hbm>> -> memref<8192xf32, #tpu.memory_space<hbm>>
    tpu.enqueue_dma source(%arg7 : memref<8192xf32, #tpu.memory_space<vmem>>) target(%dma_start3A_26 : memref<8192xf32, #tpu.memory_space<hbm>>) target_semaphore(%arg10 : memref<!tpu.dma_semaphore, #tpu.memory_space<semaphore_mem>>)
    %mul3A_27 = arith.constant 2 : i32
    %mul3A_28 = arith.muli %add3A, %mul3A_27 : i32
    %add3A_29 = arith.constant 1 : i32
    %add3A_30 = arith.addi %mul3A_28, %add3A_29 : i32
    %dma_start3A_31 = arith.constant 0 : i32
    %dma_start3A_32 = tpu.memref_slice %arg2[%add3A_30, %dma_start3A_31] : memref<64x100000xf32, #tpu.memory_space<hbm>> -> memref<1x100000xf32, #tpu.memory_space<hbm>>
    %dma_start3A_33 = tpu.memref_squeeze %dma_start3A_32 : memref<1x100000xf32, #tpu.memory_space<hbm>> -> memref<100000xf32, #tpu.memory_space<hbm>>
    %dma_start3A_34 = arith.constant 0 : i32
    %dma_start3A_35 = tpu.memref_slice %arg2[%add3A_30, %dma_start3A_34] : memref<64x100000xf32, #tpu.memory_space<hbm>> -> memref<1x100000xf32, #tpu.memory_space<hbm>>
    %dma_start3A_36 = tpu.memref_squeeze %dma_start3A_35 : memref<1x100000xf32, #tpu.memory_space<hbm>> -> memref<100000xf32, #tpu.memory_space<hbm>>
    tpu.enqueue_dma source(%dma_start3A_36 : memref<100000xf32, #tpu.memory_space<hbm>>) target(%arg6 : memref<100000xf32, #tpu.memory_space<vmem>>) target_semaphore(%arg9 : memref<!tpu.dma_semaphore, #tpu.memory_space<semaphore_mem>>)
    %dma_wait3A_37 = arith.constant 0 : i32
    %dma_wait3A_38 = tpu.memref_slice %arg2[%add3A_30, %dma_wait3A_37] : memref<64x100000xf32, #tpu.memory_space<hbm>> -> memref<1x100000xf32, #tpu.memory_space<hbm>>
    %dma_wait3A_39 = tpu.memref_squeeze %dma_wait3A_38 : memref<1x100000xf32, #tpu.memory_space<hbm>> -> memref<100000xf32, #tpu.memory_space<hbm>>
    %dma_wait3A_40 = arith.constant 0 : i32
    %dma_wait3A_41 = tpu.memref_slice %arg2[%add3A_30, %dma_wait3A_40] : memref<64x100000xf32, #tpu.memory_space<hbm>> -> memref<1x100000xf32, #tpu.memory_space<hbm>>
    %dma_wait3A_42 = tpu.memref_squeeze %dma_wait3A_41 : memref<1x100000xf32, #tpu.memory_space<hbm>> -> memref<100000xf32, #tpu.memory_space<hbm>>
    tpu.wait_dma2 semaphore(%arg9 : memref<!tpu.dma_semaphore, #tpu.memory_space<semaphore_mem>>) src(%dma_wait3A_42 : memref<100000xf32, #tpu.memory_space<hbm>>) dst(%arg6 : memref<100000xf32, #tpu.memory_space<vmem>>)
    %scan3A_43 = arith.constant 0 : i32
    %scan3A_44 = arith.constant 0 : i32
    %scan3A_45 = arith.constant 512 : i32
    %scan3A_46 = arith.addi %scan3A_44, %scan3A_45 : i32
    %scan3A_47 = arith.constant 16 : i32
    %scan3A_48 = scf.for %scan3A_68 = %scan3A_44 to %scan3A_46 step %scan3A_47 iter_args(%scan3A_69 = %scan3A_43) -> (i32)  : i32 {
      %mul3A_70 = arith.constant 16 : i32
      %mul3A_71 = arith.muli %scan3A_68, %mul3A_70 : i32
      %get3A = arith.index_cast %mul3A_71 : i32 to index
      %get3A_72 = tpu.vector_load %arg5[%get3A] {strides = array<i32>} : memref<8192xi32, #tpu.memory_space<vmem>>, vector<16xi32>,
      %gather3A = tpu.vector_load_idx %arg6[%get3A_72] : memref<100000xf32, #tpu.memory_space<vmem>>[vector<16xi32>], vector<16xf32>,
      %mul3A_73 = arith.constant 16 : i32
      %mul3A_74 = arith.muli %scan3A_68, %mul3A_73 : i32
      %swap3A = arith.index_cast %mul3A_74 : i32 to index
      %swap3A_75 = tpu.vector_load %arg8[%swap3A] {strides = array<i32>} : memref<8192xf32, #tpu.memory_space<vmem>>, vector<16xf32>,
      tpu.vector_store %arg8[%swap3A], %gather3A {strides = array<i32>} : memref<8192xf32, #tpu.memory_space<vmem>>, vector<16xf32>,
      %scan3A_76 = arith.constant 0 : i32
      %scan3A_77 = arith.constant 1 : i32
      %scan3A_78 = arith.addi %scan3A_68, %scan3A_77 : i32
      %mul3A_79 = arith.constant 16 : i32
      %mul3A_80 = arith.muli %scan3A_78, %mul3A_79 : i32
      %get3A_81 = arith.index_cast %mul3A_80 : i32 to index
      %get3A_82 = tpu.vector_load %arg5[%get3A_81] {strides = array<i32>} : memref<8192xi32, #tpu.memory_space<vmem>>, vector<16xi32>,
      %gather3A_83 = tpu.vector_load_idx %arg6[%get3A_82] : memref<100000xf32, #tpu.memory_space<vmem>>[vector<16xi32>], vector<16xf32>,
      %mul3A_84 = arith.constant 16 : i32
      %mul3A_85 = arith.muli %scan3A_78, %mul3A_84 : i32
      %swap3A_86 = arith.index_cast %mul3A_85 : i32 to index
      %swap3A_87 = tpu.vector_load %arg8[%swap3A_86] {strides = array<i32>} : memref<8192xf32, #tpu.memory_space<vmem>>, vector<16xf32>,
      tpu.vector_store %arg8[%swap3A_86], %gather3A_83 {strides = array<i32>} : memref<8192xf32, #tpu.memory_space<vmem>>, vector<16xf32>,
      %scan3A_88 = arith.constant 0 : i32
      %scan3A_89 = arith.constant 2 : i32
      %scan3A_90 = arith.addi %scan3A_68, %scan3A_89 : i32
      %mul3A_91 = arith.constant 16 : i32
      %mul3A_92 = arith.muli %scan3A_90, %mul3A_91 : i32
      %get3A_93 = arith.index_cast %mul3A_92 : i32 to index
      %get3A_94 = tpu.vector_load %arg5[%get3A_93] {strides = array<i32>} : memref<8192xi32, #tpu.memory_space<vmem>>, vector<16xi32>,
      %gather3A_95 = tpu.vector_load_idx %arg6[%get3A_94] : memref<100000xf32, #tpu.memory_space<vmem>>[vector<16xi32>], vector<16xf32>,
      %mul3A_96 = arith.constant 16 : i32
      %mul3A_97 = arith.muli %scan3A_90, %mul3A_96 : i32
      %swap3A_98 = arith.index_cast %mul3A_97 : i32 to index
      %swap3A_99 = tpu.vector_load %arg8[%swap3A_98] {strides = array<i32>} : memref<8192xf32, #tpu.memory_space<vmem>>, vector<16xf32>,
      tpu.vector_store %arg8[%swap3A_98], %gather3A_95 {strides = array<i32>} : memref<8192xf32, #tpu.memory_space<vmem>>, vector<16xf32>,
      %scan3A_100 = arith.constant 0 : i32
      %scan3A_101 = arith.constant 3 : i32
      %scan3A_102 = arith.addi %scan3A_68, %scan3A_101 : i32
      %mul3A_103 = arith.constant 16 : i32
      %mul3A_104 = arith.muli %scan3A_102, %mul3A_103 : i32
      %get3A_105 = arith.index_cast %mul3A_104 : i32 to index
      %get3A_106 = tpu.vector_load %arg5[%get3A_105] {strides = array<i32>} : memref<8192xi32, #tpu.memory_space<vmem>>, vector<16xi32>,
      %gather3A_107 = tpu.vector_load_idx %arg6[%get3A_106] : memref<100000xf32, #tpu.memory_space<vmem>>[vector<16xi32>], vector<16xf32>,
      %mul3A_108 = arith.constant 16 : i32
      %mul3A_109 = arith.muli %scan3A_102, %mul3A_108 : i32
      %swap3A_110 = arith.index_cast %mul3A_109 : i32 to index
      %swap3A_111 = tpu.vector_load %arg8[%swap3A_110] {strides = array<i32>} : memref<8192xf32, #tpu.memory_space<vmem>>, vector<16xf32>,
      tpu.vector_store %arg8[%swap3A_110], %gather3A_107 {strides = array<i32>} : memref<8192xf32, #tpu.memory_space<vmem>>, vector<16xf32>,
      %scan3A_112 = arith.constant 0 : i32
      %scan3A_113 = arith.constant 4 : i32
      %scan3A_114 = arith.addi %scan3A_68, %scan3A_113 : i32
      %mul3A_115 = arith.constant 16 : i32
      %mul3A_116 = arith.muli %scan3A_114, %mul3A_115 : i32
      %get3A_117 = arith.index_cast %mul3A_116 : i32 to index
      %get3A_118 = tpu.vector_load %arg5[%get3A_117] {strides = array<i32>} : memref<8192xi32, #tpu.memory_space<vmem>>, vector<16xi32>,
      %gather3A_119 = tpu.vector_load_idx %arg6[%get3A_118] : memref<100000xf32, #tpu.memory_space<vmem>>[vector<16xi32>], vector<16xf32>,
      %mul3A_120 = arith.constant 16 : i32
      %mul3A_121 = arith.muli %scan3A_114, %mul3A_120 : i32
      %swap3A_122 = arith.index_cast %mul3A_121 : i32 to index
      %swap3A_123 = tpu.vector_load %arg8[%swap3A_122] {strides = array<i32>} : memref<8192xf32, #tpu.memory_space<vmem>>, vector<16xf32>,
      tpu.vector_store %arg8[%swap3A_122], %gather3A_119 {strides = array<i32>} : memref<8192xf32, #tpu.memory_space<vmem>>, vector<16xf32>,
      %scan3A_124 = arith.constant 0 : i32
      %scan3A_125 = arith.constant 5 : i32
      %scan3A_126 = arith.addi %scan3A_68, %scan3A_125 : i32
      %mul3A_127 = arith.constant 16 : i32
      %mul3A_128 = arith.muli %scan3A_126, %mul3A_127 : i32
      %get3A_129 = arith.index_cast %mul3A_128 : i32 to index
      %get3A_130 = tpu.vector_load %arg5[%get3A_129] {strides = array<i32>} : memref<8192xi32, #tpu.memory_space<vmem>>, vector<16xi32>,
      %gather3A_131 = tpu.vector_load_idx %arg6[%get3A_130] : memref<100000xf32, #tpu.memory_space<vmem>>[vector<16xi32>], vector<16xf32>,
      %mul3A_132 = arith.constant 16 : i32
      %mul3A_133 = arith.muli %scan3A_126, %mul3A_132 : i32
      %swap3A_134 = arith.index_cast %mul3A_133 : i32 to index
      %swap3A_135 = tpu.vector_load %arg8[%swap3A_134] {strides = array<i32>} : memref<8192xf32, #tpu.memory_space<vmem>>, vector<16xf32>,
      tpu.vector_store %arg8[%swap3A_134], %gather3A_131 {strides = array<i32>} : memref<8192xf32, #tpu.memory_space<vmem>>, vector<16xf32>,
      %scan3A_136 = arith.constant 0 : i32
      %scan3A_137 = arith.constant 6 : i32
      %scan3A_138 = arith.addi %scan3A_68, %scan3A_137 : i32
      %mul3A_139 = arith.constant 16 : i32
      %mul3A_140 = arith.muli %scan3A_138, %mul3A_139 : i32
      %get3A_141 = arith.index_cast %mul3A_140 : i32 to index
      %get3A_142 = tpu.vector_load %arg5[%get3A_141] {strides = array<i32>} : memref<8192xi32, #tpu.memory_space<vmem>>, vector<16xi32>,
      %gather3A_143 = tpu.vector_load_idx %arg6[%get3A_142] : memref<100000xf32, #tpu.memory_space<vmem>>[vector<16xi32>], vector<16xf32>,
      %mul3A_144 = arith.constant 16 : i32
      %mul3A_145 = arith.muli %scan3A_138, %mul3A_144 : i32
      %swap3A_146 = arith.index_cast %mul3A_145 : i32 to index
      %swap3A_147 = tpu.vector_load %arg8[%swap3A_146] {strides = array<i32>} : memref<8192xf32, #tpu.memory_space<vmem>>, vector<16xf32>,
      tpu.vector_store %arg8[%swap3A_146], %gather3A_143 {strides = array<i32>} : memref<8192xf32, #tpu.memory_space<vmem>>, vector<16xf32>,
      %scan3A_148 = arith.constant 0 : i32
      %scan3A_149 = arith.constant 7 : i32
      %scan3A_150 = arith.addi %scan3A_68, %scan3A_149 : i32
      %mul3A_151 = arith.constant 16 : i32
      %mul3A_152 = arith.muli %scan3A_150, %mul3A_151 : i32
      %get3A_153 = arith.index_cast %mul3A_152 : i32 to index
      %get3A_154 = tpu.vector_load %arg5[%get3A_153] {strides = array<i32>} : memref<8192xi32, #tpu.memory_space<vmem>>, vector<16xi32>,
      %gather3A_155 = tpu.vector_load_idx %arg6[%get3A_154] : memref<100000xf32, #tpu.memory_space<vmem>>[vector<16xi32>], vector<16xf32>,
      %mul3A_156 = arith.constant 16 : i32
      %mul3A_157 = arith.muli %scan3A_150, %mul3A_156 : i32
      %swap3A_158 = arith.index_cast %mul3A_157 : i32 to index
      %swap3A_159 = tpu.vector_load %arg8[%swap3A_158] {strides = array<i32>} : memref<8192xf32, #tpu.memory_space<vmem>>, vector<16xf32>,
      tpu.vector_store %arg8[%swap3A_158], %gather3A_155 {strides = array<i32>} : memref<8192xf32, #tpu.memory_space<vmem>>, vector<16xf32>,
      %scan3A_160 = arith.constant 0 : i32
      %scan3A_161 = arith.constant 8 : i32
      %scan3A_162 = arith.addi %scan3A_68, %scan3A_161 : i32
      %mul3A_163 = arith.constant 16 : i32
      %mul3A_164 = arith.muli %scan3A_162, %mul3A_163 : i32
      %get3A_165 = arith.index_cast %mul3A_164 : i32 to index
      %get3A_166 = tpu.vector_load %arg5[%get3A_165] {strides = array<i32>} : memref<8192xi32, #tpu.memory_space<vmem>>, vector<16xi32>,
      %gather3A_167 = tpu.vector_load_idx %arg6[%get3A_166] : memref<100000xf32, #tpu.memory_space<vmem>>[vector<16xi32>], vector<16xf32>,
      %mul3A_168 = arith.constant 16 : i32
      %mul3A_169 = arith.muli %scan3A_162, %mul3A_168 : i32
      %swap3A_170 = arith.index_cast %mul3A_169 : i32 to index
      %swap3A_171 = tpu.vector_load %arg8[%swap3A_170] {strides = array<i32>} : memref<8192xf32, #tpu.memory_space<vmem>>, vector<16xf32>,
      tpu.vector_store %arg8[%swap3A_170], %gather3A_167 {strides = array<i32>} : memref<8192xf32, #tpu.memory_space<vmem>>, vector<16xf32>,
      %scan3A_172 = arith.constant 0 : i32
      %scan3A_173 = arith.constant 9 : i32
      %scan3A_174 = arith.addi %scan3A_68, %scan3A_173 : i32
      %mul3A_175 = arith.constant 16 : i32
      %mul3A_176 = arith.muli %scan3A_174, %mul3A_175 : i32
      %get3A_177 = arith.index_cast %mul3A_176 : i32 to index
      %get3A_178 = tpu.vector_load %arg5[%get3A_177] {strides = array<i32>} : memref<8192xi32, #tpu.memory_space<vmem>>, vector<16xi32>,
      %gather3A_179 = tpu.vector_load_idx %arg6[%get3A_178] : memref<100000xf32, #tpu.memory_space<vmem>>[vector<16xi32>], vector<16xf32>,
      %mul3A_180 = arith.constant 16 : i32
      %mul3A_181 = arith.muli %scan3A_174, %mul3A_180 : i32
      %swap3A_182 = arith.index_cast %mul3A_181 : i32 to index
      %swap3A_183 = tpu.vector_load %arg8[%swap3A_182] {strides = array<i32>} : memref<8192xf32, #tpu.memory_space<vmem>>, vector<16xf32>,
      tpu.vector_store %arg8[%swap3A_182], %gather3A_179 {strides = array<i32>} : memref<8192xf32, #tpu.memory_space<vmem>>, vector<16xf32>,
      %scan3A_184 = arith.constant 0 : i32
      %scan3A_185 = arith.constant 10 : i32
      %scan3A_186 = arith.addi %scan3A_68, %scan3A_185 : i32
      %mul3A_187 = arith.constant 16 : i32
      %mul3A_188 = arith.muli %scan3A_186, %mul3A_187 : i32
      %get3A_189 = arith.index_cast %mul3A_188 : i32 to index
      %get3A_190 = tpu.vector_load %arg5[%get3A_189] {strides = array<i32>} : memref<8192xi32, #tpu.memory_space<vmem>>, vector<16xi32>,
      %gather3A_191 = tpu.vector_load_idx %arg6[%get3A_190] : memref<100000xf32, #tpu.memory_space<vmem>>[vector<16xi32>], vector<16xf32>,
      %mul3A_192 = arith.constant 16 : i32
      %mul3A_193 = arith.muli %scan3A_186, %mul3A_192 : i32
      %swap3A_194 = arith.index_cast %mul3A_193 : i32 to index
      %swap3A_195 = tpu.vector_load %arg8[%swap3A_194] {strides = array<i32>} : memref<8192xf32, #tpu.memory_space<vmem>>, vector<16xf32>,
      tpu.vector_store %arg8[%swap3A_194], %gather3A_191 {strides = array<i32>} : memref<8192xf32, #tpu.memory_space<vmem>>, vector<16xf32>,
      %scan3A_196 = arith.constant 0 : i32
      %scan3A_197 = arith.constant 11 : i32
      %scan3A_198 = arith.addi %scan3A_68, %scan3A_197 : i32
      %mul3A_199 = arith.constant 16 : i32
      %mul3A_200 = arith.muli %scan3A_198, %mul3A_199 : i32
      %get3A_201 = arith.index_cast %mul3A_200 : i32 to index
      %get3A_202 = tpu.vector_load %arg5[%get3A_201] {strides = array<i32>} : memref<8192xi32, #tpu.memory_space<vmem>>, vector<16xi32>,
      %gather3A_203 = tpu.vector_load_idx %arg6[%get3A_202] : memref<100000xf32, #tpu.memory_space<vmem>>[vector<16xi32>], vector<16xf32>,
      %mul3A_204 = arith.constant 16 : i32
      %mul3A_205 = arith.muli %scan3A_198, %mul3A_204 : i32
      %swap3A_206 = arith.index_cast %mul3A_205 : i32 to index
      %swap3A_207 = tpu.vector_load %arg8[%swap3A_206] {strides = array<i32>} : memref<8192xf32, #tpu.memory_space<vmem>>, vector<16xf32>,
      tpu.vector_store %arg8[%swap3A_206], %gather3A_203 {strides = array<i32>} : memref<8192xf32, #tpu.memory_space<vmem>>, vector<16xf32>,
      %scan3A_208 = arith.constant 0 : i32
      %scan3A_209 = arith.constant 12 : i32
      %scan3A_210 = arith.addi %scan3A_68, %scan3A_209 : i32
      %mul3A_211 = arith.constant 16 : i32
      %mul3A_212 = arith.muli %scan3A_210, %mul3A_211 : i32
      %get3A_213 = arith.index_cast %mul3A_212 : i32 to index
      %get3A_214 = tpu.vector_load %arg5[%get3A_213] {strides = array<i32>} : memref<8192xi32, #tpu.memory_space<vmem>>, vector<16xi32>,
      %gather3A_215 = tpu.vector_load_idx %arg6[%get3A_214] : memref<100000xf32, #tpu.memory_space<vmem>>[vector<16xi32>], vector<16xf32>,
      %mul3A_216 = arith.constant 16 : i32
      %mul3A_217 = arith.muli %scan3A_210, %mul3A_216 : i32
      %swap3A_218 = arith.index_cast %mul3A_217 : i32 to index
      %swap3A_219 = tpu.vector_load %arg8[%swap3A_218] {strides = array<i32>} : memref<8192xf32, #tpu.memory_space<vmem>>, vector<16xf32>,
      tpu.vector_store %arg8[%swap3A_218], %gather3A_215 {strides = array<i32>} : memref<8192xf32, #tpu.memory_space<vmem>>, vector<16xf32>,
      %scan3A_220 = arith.constant 0 : i32
      %scan3A_221 = arith.constant 13 : i32
      %scan3A_222 = arith.addi %scan3A_68, %scan3A_221 : i32
      %mul3A_223 = arith.constant 16 : i32
      %mul3A_224 = arith.muli %scan3A_222, %mul3A_223 : i32
      %get3A_225 = arith.index_cast %mul3A_224 : i32 to index
      %get3A_226 = tpu.vector_load %arg5[%get3A_225] {strides = array<i32>} : memref<8192xi32, #tpu.memory_space<vmem>>, vector<16xi32>,
      %gather3A_227 = tpu.vector_load_idx %arg6[%get3A_226] : memref<100000xf32, #tpu.memory_space<vmem>>[vector<16xi32>], vector<16xf32>,
      %mul3A_228 = arith.constant 16 : i32
      %mul3A_229 = arith.muli %scan3A_222, %mul3A_228 : i32
      %swap3A_230 = arith.index_cast %mul3A_229 : i32 to index
      %swap3A_231 = tpu.vector_load %arg8[%swap3A_230] {strides = array<i32>} : memref<8192xf32, #tpu.memory_space<vmem>>, vector<16xf32>,
      tpu.vector_store %arg8[%swap3A_230], %gather3A_227 {strides = array<i32>} : memref<8192xf32, #tpu.memory_space<vmem>>, vector<16xf32>,
      %scan3A_232 = arith.constant 0 : i32
      %scan3A_233 = arith.constant 14 : i32
      %scan3A_234 = arith.addi %scan3A_68, %scan3A_233 : i32
      %mul3A_235 = arith.constant 16 : i32
      %mul3A_236 = arith.muli %scan3A_234, %mul3A_235 : i32
      %get3A_237 = arith.index_cast %mul3A_236 : i32 to index
      %get3A_238 = tpu.vector_load %arg5[%get3A_237] {strides = array<i32>} : memref<8192xi32, #tpu.memory_space<vmem>>, vector<16xi32>,
      %gather3A_239 = tpu.vector_load_idx %arg6[%get3A_238] : memref<100000xf32, #tpu.memory_space<vmem>>[vector<16xi32>], vector<16xf32>,
      %mul3A_240 = arith.constant 16 : i32
      %mul3A_241 = arith.muli %scan3A_234, %mul3A_240 : i32
      %swap3A_242 = arith.index_cast %mul3A_241 : i32 to index
      %swap3A_243 = tpu.vector_load %arg8[%swap3A_242] {strides = array<i32>} : memref<8192xf32, #tpu.memory_space<vmem>>, vector<16xf32>,
      tpu.vector_store %arg8[%swap3A_242], %gather3A_239 {strides = array<i32>} : memref<8192xf32, #tpu.memory_space<vmem>>, vector<16xf32>,
      %scan3A_244 = arith.constant 0 : i32
      %scan3A_245 = arith.constant 15 : i32
      %scan3A_246 = arith.addi %scan3A_68, %scan3A_245 : i32
      %mul3A_247 = arith.constant 16 : i32
      %mul3A_248 = arith.muli %scan3A_246, %mul3A_247 : i32
      %get3A_249 = arith.index_cast %mul3A_248 : i32 to index
      %get3A_250 = tpu.vector_load %arg5[%get3A_249] {strides = array<i32>} : memref<8192xi32, #tpu.memory_space<vmem>>, vector<16xi32>,
      %gather3A_251 = tpu.vector_load_idx %arg6[%get3A_250] : memref<100000xf32, #tpu.memory_space<vmem>>[vector<16xi32>], vector<16xf32>,
      %mul3A_252 = arith.constant 16 : i32
      %mul3A_253 = arith.muli %scan3A_246, %mul3A_252 : i32
      %swap3A_254 = arith.index_cast %mul3A_253 : i32 to index
      %swap3A_255 = tpu.vector_load %arg8[%swap3A_254] {strides = array<i32>} : memref<8192xf32, #tpu.memory_space<vmem>>, vector<16xf32>,
      tpu.vector_store %arg8[%swap3A_254], %gather3A_251 {strides = array<i32>} : memref<8192xf32, #tpu.memory_space<vmem>>, vector<16xf32>,
      %scan3A_256 = arith.constant 0 : i32
      scf.yield %scan3A_256 : i32
    }
    %scan3A_49 = arith.constant 512 : i32
    %dma_start3A_50 = arith.constant 0 : i32
    %dma_start3A_51 = tpu.memref_slice %arg4[%add3A_30, %dma_start3A_50] : memref<64x8192xf32, #tpu.memory_space<hbm>> -> memref<1x8192xf32, #tpu.memory_space<hbm>>
    %dma_start3A_52 = tpu.memref_squeeze %dma_start3A_51 : memref<1x8192xf32, #tpu.memory_space<hbm>> -> memref<8192xf32, #tpu.memory_space<hbm>>
    %dma_start3A_53 = arith.constant 0 : i32
    %dma_start3A_54 = tpu.memref_slice %arg4[%add3A_30, %dma_start3A_53] : memref<64x8192xf32, #tpu.memory_space<hbm>> -> memref<1x8192xf32, #tpu.memory_space<hbm>>
    %dma_start3A_55 = tpu.memref_squeeze %dma_start3A_54 : memref<1x8192xf32, #tpu.memory_space<hbm>> -> memref<8192xf32, #tpu.memory_space<hbm>>
    tpu.enqueue_dma source(%arg8 : memref<8192xf32, #tpu.memory_space<vmem>>) target(%dma_start3A_55 : memref<8192xf32, #tpu.memory_space<hbm>>) target_semaphore(%arg10 : memref<!tpu.dma_semaphore, #tpu.memory_space<semaphore_mem>>)
    %dma_wait3A_56 = arith.constant 0 : i32
    %dma_wait3A_57 = tpu.memref_slice %arg4[%add3A_4, %dma_wait3A_56] : memref<64x8192xf32, #tpu.memory_space<hbm>> -> memref<1x8192xf32, #tpu.memory_space<hbm>>
    %dma_wait3A_58 = tpu.memref_squeeze %dma_wait3A_57 : memref<1x8192xf32, #tpu.memory_space<hbm>> -> memref<8192xf32, #tpu.memory_space<hbm>>
    %dma_wait3A_59 = arith.constant 0 : i32
    %dma_wait3A_60 = tpu.memref_slice %arg4[%add3A_4, %dma_wait3A_59] : memref<64x8192xf32, #tpu.memory_space<hbm>> -> memref<1x8192xf32, #tpu.memory_space<hbm>>
    %dma_wait3A_61 = tpu.memref_squeeze %dma_wait3A_60 : memref<1x8192xf32, #tpu.memory_space<hbm>> -> memref<8192xf32, #tpu.memory_space<hbm>>
    tpu.wait_dma2 semaphore(%arg10 : memref<!tpu.dma_semaphore, #tpu.memory_space<semaphore_mem>>) src(%arg7 : memref<8192xf32, #tpu.memory_space<vmem>>) dst(%dma_wait3A_61 : memref<8192xf32, #tpu.memory_space<hbm>>)
    %dma_wait3A_62 = arith.constant 0 : i32
    %dma_wait3A_63 = tpu.memref_slice %arg4[%add3A_30, %dma_wait3A_62] : memref<64x8192xf32, #tpu.memory_space<hbm>> -> memref<1x8192xf32, #tpu.memory_space<hbm>>
    %dma_wait3A_64 = tpu.memref_squeeze %dma_wait3A_63 : memref<1x8192xf32, #tpu.memory_space<hbm>> -> memref<8192xf32, #tpu.memory_space<hbm>>
    %dma_wait3A_65 = arith.constant 0 : i32
    %dma_wait3A_66 = tpu.memref_slice %arg4[%add3A_30, %dma_wait3A_65] : memref<64x8192xf32, #tpu.memory_space<hbm>> -> memref<1x8192xf32, #tpu.memory_space<hbm>>
    %dma_wait3A_67 = tpu.memref_squeeze %dma_wait3A_66 : memref<1x8192xf32, #tpu.memory_space<hbm>> -> memref<8192xf32, #tpu.memory_space<hbm>>
    tpu.wait_dma2 semaphore(%arg10 : memref<!tpu.dma_semaphore, #tpu.memory_space<semaphore_mem>>) src(%arg8 : memref<8192xf32, #tpu.memory_space<vmem>>) dst(%dma_wait3A_67 : memref<8192xf32, #tpu.memory_space<hbm>>)
    return
  }
}

module attributes {stable_mosaic.version = 14 : i64} {
  func.func @_tc_body(%arg0: i32, %arg1: memref<64x1024xf32, #tpu.memory_space<vmem>>, %arg2: memref<64x1024xf32, #tpu.memory_space<vmem>>, %arg3: memref<5504x64xbf16, #tpu.memory_space<vmem>>, %arg4: memref<86x5504xbf16, #tpu.memory_space<vmem>>, %arg5: memref<86x1024xf32, #tpu.memory_space<vmem>>) attributes {dimension_semantics = [#tpu.dimension_semantics<arbitrary>], iteration_bounds = array<i64: 4>, scalar_prefetch = 0 : i64, scratch_operands = 0 : i64, tpu.core_type = #tpu.core_type<tc>, window_params = [{transform_indices = @transform_0, window_bounds = array<i64: 64, 1024>}, {transform_indices = @transform_1, window_bounds = array<i64: 64, 1024>}, {pipeline_mode = #tpu.pipeline_mode<synchronous>, transform_indices = @transform_2, window_bounds = array<i64: 5504, 64>}, {pipeline_mode = #tpu.pipeline_mode<synchronous>, transform_indices = @transform_3, window_bounds = array<i64: 86, 5504>}, {transform_indices = @transform_4, window_bounds = array<i64: 86, 1024>}]} {
    %get3A = arith.constant 0 : index
    %get3A_0 = arith.constant 0 : index
    %get3A_1 = vector.load %arg1[%get3A, %get3A_0] : memref<64x1024xf32, #tpu.memory_space<vmem>>, vector<64x1024xf32>
    %convert_element_type3A = arith.truncf %get3A_1 : vector<64x1024xf32> to vector<64x1024xbf16>
    %get3A_2 = arith.constant 0 : index
    %get3A_3 = arith.constant 0 : index
    %get3A_4 = vector.load %arg2[%get3A_2, %get3A_3] : memref<64x1024xf32, #tpu.memory_space<vmem>>, vector<64x1024xf32>
    %convert_element_type3A_5 = arith.truncf %get3A_4 : vector<64x1024xf32> to vector<64x1024xbf16>
    %get3A_6 = arith.constant 0 : index
    %get3A_7 = arith.constant 0 : index
    %get3A_8 = vector.load %arg3[%get3A_6, %get3A_7] : memref<5504x64xbf16, #tpu.memory_space<vmem>>, vector<5504x64xbf16>
    %dot_general3A = arith.constant dense<0.000000e+00> : vector<5504x1024xf32>
    %dot_general3A_9 = tpu.matmul %get3A_8, %convert_element_type3A, %dot_general3A {dimension_numbers = #tpu.dot_dimension_numbers<[1], [0], [0], [1], [0, 0, 1, 1], [], []>, transpose_lhs_hint = false} : vector<5504x64xbf16>, vector<64x1024xbf16>, vector<5504x1024xf32> -> vector<5504x1024xf32>
    %convert_element_type3A_10 = arith.truncf %dot_general3A_9 : vector<5504x1024xf32> to vector<5504x1024xbf16>
    %tile3A = tpu.concatenate %convert_element_type3A_5, %convert_element_type3A_5, %convert_element_type3A_5, %convert_element_type3A_5, %convert_element_type3A_5, %convert_element_type3A_5, %convert_element_type3A_5, %convert_element_type3A_5, %convert_element_type3A_5, %convert_element_type3A_5, %convert_element_type3A_5, %convert_element_type3A_5, %convert_element_type3A_5, %convert_element_type3A_5, %convert_element_type3A_5, %convert_element_type3A_5, %convert_element_type3A_5, %convert_element_type3A_5, %convert_element_type3A_5, %convert_element_type3A_5, %convert_element_type3A_5, %convert_element_type3A_5, %convert_element_type3A_5, %convert_element_type3A_5, %convert_element_type3A_5, %convert_element_type3A_5, %convert_element_type3A_5, %convert_element_type3A_5, %convert_element_type3A_5, %convert_element_type3A_5, %convert_element_type3A_5, %convert_element_type3A_5, %convert_element_type3A_5, %convert_element_type3A_5, %convert_element_type3A_5, %convert_element_type3A_5, %convert_element_type3A_5, %convert_element_type3A_5, %convert_element_type3A_5, %convert_element_type3A_5, %convert_element_type3A_5, %convert_element_type3A_5, %convert_element_type3A_5, %convert_element_type3A_5, %convert_element_type3A_5, %convert_element_type3A_5, %convert_element_type3A_5, %convert_element_type3A_5, %convert_element_type3A_5, %convert_element_type3A_5, %convert_element_type3A_5, %convert_element_type3A_5, %convert_element_type3A_5, %convert_element_type3A_5, %convert_element_type3A_5, %convert_element_type3A_5, %convert_element_type3A_5, %convert_element_type3A_5, %convert_element_type3A_5, %convert_element_type3A_5, %convert_element_type3A_5, %convert_element_type3A_5, %convert_element_type3A_5, %convert_element_type3A_5, %convert_element_type3A_5, %convert_element_type3A_5, %convert_element_type3A_5, %convert_element_type3A_5, %convert_element_type3A_5, %convert_element_type3A_5, %convert_element_type3A_5, %convert_element_type3A_5, %convert_element_type3A_5, %convert_element_type3A_5, %convert_element_type3A_5, %convert_element_type3A_5, %convert_element_type3A_5, %convert_element_type3A_5, %convert_element_type3A_5, %convert_element_type3A_5, %convert_element_type3A_5, %convert_element_type3A_5, %convert_element_type3A_5, %convert_element_type3A_5, %convert_element_type3A_5, %convert_element_type3A_5 in 0 : vector<64x1024xbf16>, vector<64x1024xbf16>, vector<64x1024xbf16>, vector<64x1024xbf16>, vector<64x1024xbf16>, vector<64x1024xbf16>, vector<64x1024xbf16>, vector<64x1024xbf16>, vector<64x1024xbf16>, vector<64x1024xbf16>, vector<64x1024xbf16>, vector<64x1024xbf16>, vector<64x1024xbf16>, vector<64x1024xbf16>, vector<64x1024xbf16>, vector<64x1024xbf16>, vector<64x1024xbf16>, vector<64x1024xbf16>, vector<64x1024xbf16>, vector<64x1024xbf16>, vector<64x1024xbf16>, vector<64x1024xbf16>, vector<64x1024xbf16>, vector<64x1024xbf16>, vector<64x1024xbf16>, vector<64x1024xbf16>, vector<64x1024xbf16>, vector<64x1024xbf16>, vector<64x1024xbf16>, vector<64x1024xbf16>, vector<64x1024xbf16>, vector<64x1024xbf16>, vector<64x1024xbf16>, vector<64x1024xbf16>, vector<64x1024xbf16>, vector<64x1024xbf16>, vector<64x1024xbf16>, vector<64x1024xbf16>, vector<64x1024xbf16>, vector<64x1024xbf16>, vector<64x1024xbf16>, vector<64x1024xbf16>, vector<64x1024xbf16>, vector<64x1024xbf16>, vector<64x1024xbf16>, vector<64x1024xbf16>, vector<64x1024xbf16>, vector<64x1024xbf16>, vector<64x1024xbf16>, vector<64x1024xbf16>, vector<64x1024xbf16>, vector<64x1024xbf16>, vector<64x1024xbf16>, vector<64x1024xbf16>, vector<64x1024xbf16>, vector<64x1024xbf16>, vector<64x1024xbf16>, vector<64x1024xbf16>, vector<64x1024xbf16>, vector<64x1024xbf16>, vector<64x1024xbf16>, vector<64x1024xbf16>, vector<64x1024xbf16>, vector<64x1024xbf16>, vector<64x1024xbf16>, vector<64x1024xbf16>, vector<64x1024xbf16>, vector<64x1024xbf16>, vector<64x1024xbf16>, vector<64x1024xbf16>, vector<64x1024xbf16>, vector<64x1024xbf16>, vector<64x1024xbf16>, vector<64x1024xbf16>, vector<64x1024xbf16>, vector<64x1024xbf16>, vector<64x1024xbf16>, vector<64x1024xbf16>, vector<64x1024xbf16>, vector<64x1024xbf16>, vector<64x1024xbf16>, vector<64x1024xbf16>, vector<64x1024xbf16>, vector<64x1024xbf16>, vector<64x1024xbf16>, vector<64x1024xbf16> -> vector<5504x1024xbf16>
    %get3A_11 = arith.constant 0 : index
    %get3A_12 = arith.constant 0 : index
    %get3A_13 = vector.load %arg4[%get3A_11, %get3A_12] : memref<86x5504xbf16, #tpu.memory_space<vmem>>, vector<86x5504xbf16>
    %mul3A = arith.mulf %convert_element_type3A_10, %tile3A : vector<5504x1024xbf16>
    %dot_general3A_14 = arith.constant dense<0.000000e+00> : vector<86x1024xf32>
    %dot_general3A_15 = tpu.matmul %get3A_13, %mul3A, %dot_general3A_14 {dimension_numbers = #tpu.dot_dimension_numbers<[1], [0], [0], [1], [0, 0, 1, 1], [], []>, transpose_lhs_hint = false} : vector<86x5504xbf16>, vector<5504x1024xbf16>, vector<86x1024xf32> -> vector<86x1024xf32>
    %swap3A = arith.constant 0 : index
    %swap3A_16 = arith.constant 0 : index
    %swap3A_17 = vector.load %arg5[%swap3A, %swap3A_16] : memref<86x1024xf32, #tpu.memory_space<vmem>>, vector<86x1024xf32>
    tpu.vector_store %arg5[%swap3A, %swap3A_16], %dot_general3A_15 {strides = array<i32>} : memref<86x1024xf32, #tpu.memory_space<vmem>>, vector<86x1024xf32>,
    return
  }
  func.func @transform_0(%arg0: i32) -> (i32, i32) {
    %c0_i32 = arith.constant 0 : i32
    %c0_i32_0 = arith.constant 0 : i32
    return %c0_i32, %arg0 : i32, i32
  }
  func.func @transform_1(%arg0: i32) -> (i32, i32) {
    %add3A = arith.constant 4 : i32
    %add3A_0 = arith.addi %arg0, %add3A : i32
    %c0_i32 = arith.constant 0 : i32
    %c0_i32_1 = arith.constant 0 : i32
    return %c0_i32, %add3A_0 : i32, i32
  }
  func.func @transform_2(%arg0: i32) -> (i32, i32) {
    %c0_i32 = arith.constant 0 : i32
    %c0_i32_0 = arith.constant 0 : i32
    %c0_i32_1 = arith.constant 0 : i32
    return %c0_i32, %c0_i32_0 : i32, i32
  }
  func.func @transform_3(%arg0: i32) -> (i32, i32) {
    %c0_i32 = arith.constant 0 : i32
    %c0_i32_0 = arith.constant 0 : i32
    %c0_i32_1 = arith.constant 0 : i32
    return %c0_i32, %c0_i32_0 : i32, i32
  }
  func.func @transform_4(%arg0: i32) -> (i32, i32) {
    %c0_i32 = arith.constant 0 : i32
    %c0_i32_0 = arith.constant 0 : i32
    return %c0_i32, %arg0 : i32, i32
  }
}

</mosaic_0001>

<sc_bundles>
// kernel: kernel.4.cloned.1.call-start
scs
__scs_entry_jumppad:
0x0: {  	(pc) =	sbr.rel $0x88, $3  }
0x1: {  	(tag) =	ssettag $0x0;
	lr =	simm.s32 $0x1  }
0x2: {  	[smem:$0x3F9E] =	sst lr;
	_ =	strace $0xD0000000  }
0x3: {  	_ = 	snop  }
0x4: {  	_ = 	snop  }
0x5: {  	_ = 	snop  }
0x6: {  	_ = 	snop  }
0x7: {  	_ = 	snop  }
__scs_overlays_trampoline_lowered:
0x8: {  	[smem:$0x3FAD] =	sst s0  }
0x9: {  	[smem:$0x3FAE] =	sst s1  }
0xa: {  	[smem:$0x3FAF] =	sst s2  }
0xb: {  	[smem:$0x3FB0] =	sst s3  }
0xc: {  	[smem:$0x3FB1] =	sst s4  }
0xd: {  	[smem:$0x3FB2] =	sst s5  }
0xe: {  	[smem:$0x3FB3] =	sst s6  }
0xf: {  	[smem:$0x3FB4] =	sst s7  }
0x10: {  	[smem:$0x3FB5] =	sst s8  }
0x11: {  	[smem:$0x3FB6] =	sst s9;
	s0 =	simm.s32 @!p0 $0x0  }
0x12: {  	s1 =	sld [smem:$0x3F9C];
	s0 =	simm.s32 @p0 $0x1  }
0x13: {  	[smem:$0x3FB7] =	sst s0;
	s0 =	simm.s32 @!p1 $0x0  }
0x14: {  	s2 =	sld [smem:$0x3F9B];
	s0 =	simm.s32 @p1 $0x1  }
0x15: {  	[smem:$0x3FB8] =	sst s0;
	s0 =	simm.s32 @!p2 $0x0  }
0x16: {  	s3 =	sld [smem:$0x3FDB];
	s0 =	simm.s32 @p2 $0x1  }
0x17: {  	s4 =	simm.s32 $0x1BF5;
	[smem:$0x3FBA] =	sst s0  }
0x18: {  	s0 =	sld [smem:$0x3F9D];
	_ =	swait.ge [sflag:s4], $0x0  }
0x19: {  	s7 =	sld [smem:$0x3F9E]  }
0x1a: {  	s8 =	sadd.s32 $0xFFFFE003, lr  }
0x1b: {  	s9 =	sadd.s32 $0xFFFFFEF7, lr;
	s5 =	simm.s32 $0xFFFFFFFF;
	p2 =	slt.u32 s8, $0xFFFFF086  }
0x1c: {  	p1 =	slt.u32 s9, $0xF7A;
	s5 =	simm.s32 @!p2 $0x0  }
0x1d: {  	s5 =	simm.s32 @p1 $0x1;
	p0 =	seq.s32 s7, s2  }
0x1e: {  	s7 =	smul.u32 @!p0 $0xF7A, s2;
	p2 =	seq.s32 @!p0 s5, $0x0  }
0x1f: {  	s9 =	smul.u32 $0xF7A, s1;
	s8 =	simm.s32 @!p0 $0x1BF5;
	p2 =	por !p2, p0  }
0x20: {  	[sflag:s8] =	ssyncset.s32 @!p0 $0xFFFFF086;
	s6 =	sadd.s32 @!p0 s3, s7;
	s7 =	simm.s32 @!p0 $0x108  }
0x21: {  	s3 =	sadd.s32 s3, s9;
	s6 =	sadd.s32 @!p0 $0x88, s6;
	s7 =	simm.s32 @p2 $0x1082  }
0x22: {  	[simem:s7], [sflag:s8] =	dma.local @!p0 [hbm:s6], $0xF7A  }
0x23: {  	s9 =	sor.u32 $0xD0000000, s2;
	s6 =	simm.s32 $0x108;
	_ =	swait.ge @!p0 [sflag:s8], $0x0  }
0x24: {  	s3 =	sadd.s32 $0x88, s3;
	s6 =	simm.s32 @!p1 $0x1082;
	[sflag:s4] =	ssyncset.s32 $0xFFFFF086  }
0x25: {  	[simem:s6], [sflag:s4] =	dma.local [hbm:s3], $0xF7A  }
0x26: {  	[smem:$0x3F9E] =	sst s1;
	(tag) =	ssettag s2;
	_ =	strace s9  }
0x27: {  	s1 =	sld [smem:$0x3FAE]  }
0x28: {  	s2 =	sld [smem:$0x3FAF]  }
0x29: {  	s4 =	sld [smem:$0x3FB1]  }
0x2a: {  	p0 =	seq.s32 s5, $0x0;
	s5 =	sld [smem:$0x3FB2]  }
0x2b: {  	s6 =	sld [smem:$0x3FB3]  }
0x2c: {  	s7 =	sld [smem:$0x3FB4]  }
0x2d: {  	s3 =	simm.s32 $0x108;
	s8 =	sld [smem:$0x3FB5]  }
0x2e: {  	s3 =	simm.s32 @!p0 $0x1082;
	s9 =	sld [smem:$0x3FB6]  }
0x2f: {  	lr =	sadd.s32 s0, s3;
	s0 =	sld [smem:$0x3FAD]  }
0x30: {  	s3 =	sld [smem:$0x3FB0]  }
0x31: {  	[smem:$0x3FB9] =	sst s10  }
0x32: {  	s10 =	sld [smem:$0x3FB7];
	_ =	sdelay $0x3  }
0x33: {  	p0 =	seq.s32 s10, $0x1;
	s10 =	sld [smem:$0x3FB9];
	_ =	sdelay $0x3  }
0x34: {  	[smem:$0x3FB9] =	sst s10  }
0x35: {  	s10 =	sld [smem:$0x3FB8];
	_ =	sdelay $0x3  }
0x36: {  	p1 =	seq.s32 s10, $0x1;
	s10 =	sld [smem:$0x3FB9];
	_ =	sdelay $0x3  }
0x37: {  	[smem:$0x3FB9] =	sst s10  }
0x38: {  	s10 =	sld [smem:$0x3FBA]  }
0x39: {  	_ = 	snop;
	(pc) =	sbr.ind lr, $3  }
0x3a: {  	_ = 	snop  }
0x3b: {  	_ = 	snop  }
0x3c: {  	p2 =	seq.s32 s10, $0x1;
	s10 =	sld [smem:$0x3FB9]  }
0x3d: {  	_ =	shalt  }
0x3e: {  	_ =	shalt  }
0x3f: {  	_ =	shalt  }
0x40: {  	_ =	shalt  }
0x41: {  	_ =	shalt  }
0x42: {  	_ =	shalt  }
0x43: {  	_ =	shalt  }
0x44: {  	_ =	shalt  }
0x45: {  	_ =	shalt  }
0x46: {  	_ =	shalt  }
0x47: {  	_ =	shalt  }
0x48: {  	_ =	shalt  }
0x49: {  	_ =	shalt  }
0x4a: {  	_ =	shalt  }
0x4b: {  	_ =	shalt  }
0x4c: {  	_ =	shalt  }
0x4d: {  	_ =	shalt  }
0x4e: {  	_ =	shalt  }
0x4f: {  	_ =	shalt  }
0x50: {  	_ =	shalt  }
0x51: {  	_ =	shalt  }
0x52: {  	_ =	shalt  }
0x53: {  	_ =	shalt  }
0x54: {  	_ =	shalt  }
0x55: {  	_ =	shalt  }
0x56: {  	_ =	shalt  }
0x57: {  	_ =	shalt  }
0x58: {  	_ =	shalt  }
0x59: {  	_ =	shalt  }
0x5a: {  	_ =	shalt  }
0x5b: {  	_ =	shalt  }
0x5c: {  	_ =	shalt  }
0x5d: {  	_ =	shalt  }
0x5e: {  	_ =	shalt  }
0x5f: {  	_ =	shalt  }
0x60: {  	_ =	shalt  }
0x61: {  	_ =	shalt  }
0x62: {  	_ =	shalt  }
0x63: {  	_ =	shalt  }
0x64: {  	_ =	shalt  }
0x65: {  	_ =	shalt  }
0x66: {  	_ =	shalt  }
0x67: {  	_ =	shalt  }
0x68: {  	_ =	shalt  }
0x69: {  	_ =	shalt  }
0x6a: {  	_ =	shalt  }
0x6b: {  	_ =	shalt  }
0x6c: {  	_ =	shalt  }
0x6d: {  	_ =	shalt  }
0x6e: {  	_ =	shalt  }
0x6f: {  	_ =	shalt  }
0x70: {  	_ =	shalt  }
0x71: {  	_ =	shalt  }
0x72: {  	_ =	shalt  }
0x73: {  	_ =	shalt  }
0x74: {  	_ =	shalt  }
0x75: {  	_ =	shalt  }
0x76: {  	_ =	shalt  }
0x77: {  	_ =	shalt  }
0x78: {  	_ =	shalt  }
0x79: {  	_ =	shalt  }
0x7a: {  	_ =	shalt  }
0x7b: {  	_ =	shalt  }
0x7c: {  	_ =	shalt  }
0x7d: {  	_ =	shalt  }
0x7e: {  	_ =	shalt  }
0x7f: {  	_ =	shalt  }
0x80: {  	_ =	shalt  }
0x81: {  	_ =	shalt  }
0x82: {  	_ =	shalt  }
0x83: {  	_ =	shalt  }
0x84: {  	_ =	shalt  }
0x85: {  	_ =	shalt  }
0x86: {  	_ =	shalt  }
0x87: {  	_ =	shalt  }
.Lfunc_end0:
.L_simem_size_0:
called_computation_lowered:
.L_overlay_start_0:
0x88: {  	s2 =	sld [smem:$0x3FD9]  }
0x89: {  	s3 =	sld [smem:$0x3FFE];
	_ =	sdelay $0x1  }
0x8a: {  	s1 =	srdreg.scid  }
0x8b: {  	s0 =	sand.u32 $0x1, s1  }
0x8c: {  	s17 =	sshll.u32 s0, $0xA;
	s2 =	sadd.s32 s3, s2  }
0x8d: {  	s2 =	sadd.s32 s2, s17  }
0x8e: {  	[smem:$0x3FC5] =	sst s2  }
0x8f: {  	_ = 	snop  }
0x90: {  	s2 =	sld [smem:$0x3FC8]  }
0x91: {  	s18 =	sld [smem:$0x3FD0];
	(tm) =	ssettm $0x1  }
0x92: {  	s4 =	sld [smem:$0x3FFB];
	_ =	sdelay $0x3  }
0x93: {  	_ =	strace s4  }
0x94: {  	s4 =	sld [smem:$0x3FFC];
	_ =	sdelay $0x3  }
0x95: {  	_ =	strace s4  }
0x96: {  	s4 =	sld [smem:$0x3FFD];
	_ =	sdelay $0x3  }
0x97: {  	_ =	strace s4  }
0x98: {  	_ =	strace $0x8FFFFFFF  }
0x99: {  	s19 =	sld [smem:$0x3FDB];
	_ =	sdelay $0x1  }
0x9a: {  	s5 =	simm.s32 $_scs_section_size  }
0x9b: {  	s6 =	simm.s32 $_size__tile_overlayer_lowered;
	s7 =	simm.s32 $_tile_overlayer_lowered  }
0x9c: {  	s22 =	simm.s32 $0x1BFF;
	s21 =	sshll.u32 s7, $0x1;
	s4 =	sadd.s32 s5, s19  }
0x9d: {  	s8 =	simm.s32 $0x0;
	s20 =	sshll.u32 s6, $0x1;
	s6 =	sadd.s32 s21, s4  }
0x9e: {  	[timem:s8], [sflag:s22] =	dma.local [hbm:s6], s20  }
0x9f: {  	_ =	swait.ge [sflag:s22], s20  }
0xa0: {  	s5 =	ssub.s32 $0x0, s20;
	[sflag:s22] =	ssyncset.done $0x0  }
0xa1: {  	[sflag:s22] =	ssyncadd.s32 s5;
	_ =	sdelay $0x1  }
0xa2: {  	s23 =	simm.s32 $0x1B8B  }
0xa3: {  	_ =	swait.ge [sflag:s23], $0x1  }
0xa4: {  	[sflag:s23] =	ssyncset.done $0x0  }
0xa5: {  	s25 =	simm.s32 $0x1B8E;
	s24 =	sld [smem:$0x3FFE];
	[sflag:s23] =	ssyncadd.s32 $0xFFFFFFFF  }
0xa6: {  	s26 =	simm.s32 $execute0_lowered;
	[smem:$0x3FD2] =	sst s25  }
0xa7: {  	s6 =	sshll.u32 s26, $0x1;
	_ =	strace $0x80000046;
	[dreg:$0x1] =	wrdreg $0xFFFFFFFF  }
0xa8: {  	s28 =	simm.s32 $_size_execute0_lowered;
	s4 =	sadd.s32 s4, s6;
	[dreg:$0x0] =	wrdreg $0x0  }
0xa9: {  	s6 =	sshll.u32 s28, $0x1;
	[dreg:$0x2] =	wrdreg s4  }
0xaa: {  	[dreg:$0x3] =	wrdreg s6  }
0xab: {  	[dreg:$0x4] =	wrdreg $0xC0  }
0xac: {  	_ =	task [dreg:s8], $0x5FFFF  }
0xad: {  	[dreg:$0x1] =	wrdreg $0xFFFFFFFF  }
0xae: {  	[dreg:$0x0] =	wrdreg $0x60  }
0xaf: {  	[dreg:$0x2] =	wrdreg s2  }
0xb0: {  	[dreg:$0x3] =	wrdreg s18  }
0xb1: {  	[dreg:$0x4] =	wrdreg s24  }
0xb2: {  	[dreg:$0x5] =	wrdreg $0x9  }
0xb3: {  	_ =	task.clear_ibuf [dreg:s8], $0x6FFFF;
	_ =	strace $0x90000046  }
0xb4: {  	s29 =	simm.s32 $0x9;
	_ =	strace $0x80000048  }
0xb5: {  	_ =	swait.ge [sflag:s29], $0x1  }
0xb6: {  	[sflag:s29] =	ssyncadd.s32 $0xFFFFFFFF  }
0xb7: {  	_ =	strace $0x90000048  }
0xb8: {  	_ =	sfence  }
0xb9: {  	s30 =	sld [smem:$0x0];
	_ =	sdelay $0x2  }
0xba: {  	s31 =	sshll.u32 s1, $0xD;
	s1 =	sshrl.u32 s1, $0x2  }
0xbb: {  	s3 =	sand.u32 $0x4000, s31;
	s1 =	sadd.s32 s1, s30  }
0xbc: {  	s0 =	sor.u32 s3, s0;
	s1 =	sshll.u32 s1, $0x11  }
0xbd: {  	s0 =	sor.u32 s1, s0  }
0xbe: {  	s0 =	sadd.s32 $0x8F2B, s0  }
0xbf: {  	[sflag:s0] =	ssyncadd.remote.s32 $0x1  }
0xc0: {  	_ =	sfence.sel $0xFFFF  }
0xc1: {  	[dreg:$0x0] =	wrdreg $0xFFFFFFFF;
	(pc) =	sbr.abs _section_cstart, $3  }
0xc2: {  	[dreg:$0x1] =	wrdreg $0xFFFFFFFF  }
0xc3: {  	_ =	task.clear_ibuf [dreg:s8], $0x2FFFF;
	_ =	strace $0x9FFFFFFF  }
0xc4: {  	(tm) =	ssettm $0x7FFFFFFF  }
0xc5: {  	_ =	shalt  }
tec
execute0_lowered:
.L_overlay_start_1:
0x0: {  	(tag) =	ssettag $0x1  }
0x1: {  	s6 =	rddreg [dreg:$0x0]  }
0x2: {  	s1 =	rddreg [dreg:$0x1]  }
0x3: {  	s4 =	rddreg [dreg:$0x2]  }
0x4: {  	s0 =	rddreg [dreg:$0x3];
	s3 =	simm.s32 $0x0  }
0x5: {  	s5 =	srdreg.scid;
	s2 =	stileid.u32;
	s13 =	simm.s32 $0x1A700  }
0x6: {  	s14 =	simm.s32 $0x80;
	s15 =	simm.s32 $0x1C700;
	s16 =	simm.s32 $0x2  }
0x7: {  	s17 =	simm.s32 $0x0;
	[smem:$0x7FF] =	sst s3;
	s5 =	sand.u32 $0x1, s5  }
0x8: {  	s7 =	sshll.u32 s2, $0x9;
	s8 =	sshrl.u32 s2, $0x1;
	s26 =	sadd.s32 $0x800, s4  }
0x9: {  	s9 =	sshll.u32 s5, $0x8;
	s7 =	sand.u32 $0x200, s7;
	s10 =	smul.u32 $0xC3800, s8  }
0xa: {  	_ =	strace $0x80000047;
	s5 =	ssub.s32 $0x2, s5;
	s30 =	sshll.u32 s8, $0x10  }
0xb: {  	s7 =	sor.u32 s9, s7;
	s28 =	sshrl.u32 s5, $0x1;
	s9 =	simm.s32 $0x3  }
0xc: {  	s11 =	sor.u32 s10, s7;
	s12 =	ssub.s32 s5, s28;
	s8 =	sor.u32 s30, s7  }
0xd: {  	s7 =	sor.u32 $0x80, s7;
	s29 =	sshrl.u32 s11, $0x3;
	s8 =	sshrl.u32 s8, $0x3  }
0xe: {  	s10 =	sor.u32 s10, s7;
	s7 =	sor.u32 s30, s7;
	s11 =	simm.s32 $0x2000  }
0xf: {  	s4 =	sadd.s32 s6, s29;
	s5 =	sadd.s32 s26, s8;
	s31 =	sshrl.u32 s10, $0x3  }
0x10: {  	s7 =	sshrl.u32 s7, $0x3;
	s8 =	smax.u32 s12, $0x1;
	s10 =	simm.s32 $0x400  }
0x11: {  	s12 =	simm.s32 $0x1;
	s6 =	sadd.s32 s6, s31;
	s7 =	sadd.s32 s26, s7  }
.LBB2_1:
0x12: {  	[tilespmem:s3], [sflag:$0x3] =	stream.linear.gather [hbm4b:s1+s3], $0x2000, $0x38;
	[tilespmem:$0x1E700] =	vst v63  }
0x13: {  	_ =	swait.ge [sflag:s9], $0x2000  }
0x14: {  	[sflag:s9] =	ssyncset.done $0x0  }
0x15: {  	[sflag:s9] =	ssyncadd.s32 $0xFFFFE000  }
0x16: {  	[tilespmem:s11], [sflag:$0x1] =	stream.strided.gather [hbm4b:s4+s14], $0x18700, s10, s14, $0x38;
	[tilespmem:$0x1E700] =	vst v63  }
0x17: {  	_ =	swait.ge [sflag:s12], $0x18700  }
0x18: {  	s18 =	simm.s32 $0xFFFFFFF0;
	[sflag:s12] =	ssyncset.done $0x0  }
0x19: {  	s19 =	simm.s32 $0x1A780;
	s20 =	simm.s32 $0x80;
	[sflag:s12] =	ssyncadd.s32 $0xFFFE7900  }
.LBB2_2:
0x1a: {  	v0 =	vld [tilespmem:s20+$0xFFFFFF80];
	_ =	sdelay $0x7  }
0x1b: {  	v0 =	vld.idx.msk [tilespmem:v0+s11+$0x0], $0xffff;
	_ =	sdelay $0x4  }
0x1c: {  	[tilespmem:s19+$0xFFFFFF80] =	vst v0  }
0x1d: {  	v0 =	vld [tilespmem:s20+$0xFFFFFF90];
	_ =	sdelay $0x7  }
0x1e: {  	v0 =	vld.idx.msk [tilespmem:v0+s11+$0x0], $0xffff;
	_ =	sdelay $0x4  }
0x1f: {  	[tilespmem:s19+$0xFFFFFF90] =	vst v0  }
0x20: {  	v0 =	vld [tilespmem:s20+$0xFFFFFFA0];
	_ =	sdelay $0x7  }
0x21: {  	v0 =	vld.idx.msk [tilespmem:v0+s11+$0x0], $0xffff;
	_ =	sdelay $0x4  }
0x22: {  	[tilespmem:s19+$0xFFFFFFA0] =	vst v0  }
0x23: {  	v0 =	vld [tilespmem:s20+$0xFFFFFFB0];
	_ =	sdelay $0x7  }
0x24: {  	v0 =	vld.idx.msk [tilespmem:v0+s11+$0x0], $0xffff;
	_ =	sdelay $0x4  }
0x25: {  	[tilespmem:s19+$0xFFFFFFB0] =	vst v0  }
0x26: {  	v0 =	vld [tilespmem:s20+$0xFFFFFFC0];
	_ =	sdelay $0x7  }
0x27: {  	v0 =	vld.idx.msk [tilespmem:v0+s11+$0x0], $0xffff;
	_ =	sdelay $0x4  }
0x28: {  	[tilespmem:s19+$0xFFFFFFC0] =	vst v0  }
0x29: {  	v0 =	vld [tilespmem:s20+$0xFFFFFFD0];
	_ =	sdelay $0x7  }
0x2a: {  	v0 =	vld.idx.msk [tilespmem:v0+s11+$0x0], $0xffff;
	_ =	sdelay $0x4  }
0x2b: {  	[tilespmem:s19+$0xFFFFFFD0] =	vst v0  }
0x2c: {  	v0 =	vld [tilespmem:s20+$0xFFFFFFE0];
	_ =	sdelay $0x7  }
0x2d: {  	v0 =	vld.idx.msk [tilespmem:v0+s11+$0x0], $0xffff;
	_ =	sdelay $0x4  }
0x2e: {  	[tilespmem:s19+$0xFFFFFFE0] =	vst v0  }
0x2f: {  	v0 =	vld [tilespmem:s20+$0xFFFFFFF0];
	_ =	sdelay $0x7  }
0x30: {  	v0 =	vld.idx.msk [tilespmem:v0+s11+$0x0], $0xffff;
	_ =	sdelay $0x4  }
0x31: {  	[tilespmem:s19+$0xFFFFFFF0] =	vst v0  }
0x32: {  	v0 =	vld [tilespmem:s20+$0x0];
	_ =	sdelay $0x7  }
0x33: {  	v0 =	vld.idx.msk [tilespmem:v0+s11+$0x0], $0xffff;
	_ =	sdelay $0x4  }
0x34: {  	[tilespmem:s19+$0x0] =	vst v0  }
0x35: {  	v0 =	vld [tilespmem:s20+$0x10];
	_ =	sdelay $0x7  }
0x36: {  	v0 =	vld.idx.msk [tilespmem:v0+s11+$0x0], $0xffff;
	_ =	sdelay $0x4  }
0x37: {  	[tilespmem:s19+$0x10] =	vst v0  }
0x38: {  	v0 =	vld [tilespmem:s20+$0x20];
	_ =	sdelay $0x7  }
0x39: {  	v0 =	vld.idx.msk [tilespmem:v0+s11+$0x0], $0xffff;
	_ =	sdelay $0x4  }
0x3a: {  	[tilespmem:s19+$0x20] =	vst v0  }
0x3b: {  	v0 =	vld [tilespmem:s20+$0x30];
	_ =	sdelay $0x7  }
0x3c: {  	v0 =	vld.idx.msk [tilespmem:v0+s11+$0x0], $0xffff;
	_ =	sdelay $0x4  }
0x3d: {  	[tilespmem:s19+$0x30] =	vst v0  }
0x3e: {  	v0 =	vld [tilespmem:s20+$0x40];
	_ =	sdelay $0x7  }
0x3f: {  	v0 =	vld.idx.msk [tilespmem:v0+s11+$0x0], $0xffff;
	_ =	sdelay $0x4  }
0x40: {  	[tilespmem:s19+$0x40] =	vst v0  }
0x41: {  	v0 =	vld [tilespmem:s20+$0x50];
	_ =	sdelay $0x7  }
0x42: {  	v0 =	vld.idx.msk [tilespmem:v0+s11+$0x0], $0xffff;
	_ =	sdelay $0x4  }
0x43: {  	[tilespmem:s19+$0x50] =	vst v0  }
0x44: {  	v0 =	vld [tilespmem:s20+$0x60];
	_ =	sdelay $0x7  }
0x45: {  	v0 =	vld.idx.msk [tilespmem:v0+s11+$0x0], $0xffff;
	_ =	sdelay $0x4  }
0x46: {  	[tilespmem:s19+$0x60] =	vst v0  }
0x47: {  	v0 =	vld [tilespmem:s20+$0x70];
	_ =	sdelay $0x6  }
0x48: {  	s18 =	sadd.s32 $0x10, s18  }
0x49: {  	p0 =	slt.u32 s18, $0x1F0;
	v0 =	vld.idx.msk [tilespmem:v0+s11+$0x0], $0xffff  }
.Ltmp0:
0x4a: {  	_ = 	snop;
	(pc) =	sbr.rel @p0 .LBB2_2-.Ltmp0, $2  }
0x4b: {  	_ =	sdelay $0x2  }
0x4c: {  	s20 =	sadd.s32 $0x100, s20;
	[tilespmem:s19+$0x70] =	vst v0;
	s19 =	sadd.s32 $0x100, s19  }
0x4d: {  	s18 =	simm.s32 $0x80  }
0x4e: {  	[hbm4b:s5+s18] =	stream.strided.scatter [tilespmem:s13], [sflag:$0x2], $0x2000, s10, s18, $0x38;
	[tilespmem:$0x1E700] =	vst v63  }
0x4f: {  	_ = 	snop  }
0x50: {  	[tilespmem:s11], [sflag:$0x1] =	stream.strided.gather [hbm4b:s6+s18], $0x18700, s10, s18, $0x38;
	[tilespmem:$0x1E700] =	vst v63  }
0x51: {  	_ =	swait.ge [sflag:s12], $0x18700  }
0x52: {  	[sflag:s12] =	ssyncset.done $0x0  }
0x53: {  	s19 =	simm.s32 $0xFFFFFFF0;
	s20 =	simm.s32 $0x1C780;
	[sflag:s12] =	ssyncadd.s32 $0xFFFE7900  }
.LBB2_4:
0x54: {  	v0 =	vld [tilespmem:s18+$0xFFFFFF80];
	_ =	sdelay $0x7  }
0x55: {  	v0 =	vld.idx.msk [tilespmem:v0+s11+$0x0], $0xffff;
	_ =	sdelay $0x4  }
0x56: {  	[tilespmem:s20+$0xFFFFFF80] =	vst v0  }
0x57: {  	v0 =	vld [tilespmem:s18+$0xFFFFFF90];
	_ =	sdelay $0x7  }
0x58: {  	v0 =	vld.idx.msk [tilespmem:v0+s11+$0x0], $0xffff;
	_ =	sdelay $0x4  }
0x59: {  	[tilespmem:s20+$0xFFFFFF90] =	vst v0  }
0x5a: {  	v0 =	vld [tilespmem:s18+$0xFFFFFFA0];
	_ =	sdelay $0x7  }
0x5b: {  	v0 =	vld.idx.msk [tilespmem:v0+s11+$0x0], $0xffff;
	_ =	sdelay $0x4  }
0x5c: {  	[tilespmem:s20+$0xFFFFFFA0] =	vst v0  }
0x5d: {  	v0 =	vld [tilespmem:s18+$0xFFFFFFB0];
	_ =	sdelay $0x7  }
0x5e: {  	v0 =	vld.idx.msk [tilespmem:v0+s11+$0x0], $0xffff;
	_ =	sdelay $0x4  }
0x5f: {  	[tilespmem:s20+$0xFFFFFFB0] =	vst v0  }
0x60: {  	v0 =	vld [tilespmem:s18+$0xFFFFFFC0];
	_ =	sdelay $0x7  }
0x61: {  	v0 =	vld.idx.msk [tilespmem:v0+s11+$0x0], $0xffff;
	_ =	sdelay $0x4  }
0x62: {  	[tilespmem:s20+$0xFFFFFFC0] =	vst v0  }
0x63: {  	v0 =	vld [tilespmem:s18+$0xFFFFFFD0];
	_ =	sdelay $0x7  }
0x64: {  	v0 =	vld.idx.msk [tilespmem:v0+s11+$0x0], $0xffff;
	_ =	sdelay $0x4  }
0x65: {  	[tilespmem:s20+$0xFFFFFFD0] =	vst v0  }
0x66: {  	v0 =	vld [tilespmem:s18+$0xFFFFFFE0];
	_ =	sdelay $0x7  }
0x67: {  	v0 =	vld.idx.msk [tilespmem:v0+s11+$0x0], $0xffff;
	_ =	sdelay $0x4  }
0x68: {  	[tilespmem:s20+$0xFFFFFFE0] =	vst v0  }
0x69: {  	v0 =	vld [tilespmem:s18+$0xFFFFFFF0];
	_ =	sdelay $0x7  }
0x6a: {  	v0 =	vld.idx.msk [tilespmem:v0+s11+$0x0], $0xffff;
	_ =	sdelay $0x4  }
0x6b: {  	[tilespmem:s20+$0xFFFFFFF0] =	vst v0  }
0x6c: {  	v0 =	vld [tilespmem:s18+$0x0];
	_ =	sdelay $0x7  }
0x6d: {  	v0 =	vld.idx.msk [tilespmem:v0+s11+$0x0], $0xffff;
	_ =	sdelay $0x4  }
0x6e: {  	[tilespmem:s20+$0x0] =	vst v0  }
0x6f: {  	v0 =	vld [tilespmem:s18+$0x10];
	_ =	sdelay $0x7  }
0x70: {  	v0 =	vld.idx.msk [tilespmem:v0+s11+$0x0], $0xffff;
	_ =	sdelay $0x4  }
0x71: {  	[tilespmem:s20+$0x10] =	vst v0  }
0x72: {  	v0 =	vld [tilespmem:s18+$0x20];
	_ =	sdelay $0x7  }
0x73: {  	v0 =	vld.idx.msk [tilespmem:v0+s11+$0x0], $0xffff;
	_ =	sdelay $0x4  }
0x74: {  	[tilespmem:s20+$0x20] =	vst v0  }
0x75: {  	v0 =	vld [tilespmem:s18+$0x30];
	_ =	sdelay $0x7  }
0x76: {  	v0 =	vld.idx.msk [tilespmem:v0+s11+$0x0], $0xffff;
	_ =	sdelay $0x4  }
0x77: {  	[tilespmem:s20+$0x30] =	vst v0  }
0x78: {  	v0 =	vld [tilespmem:s18+$0x40];
	_ =	sdelay $0x7  }
0x79: {  	v0 =	vld.idx.msk [tilespmem:v0+s11+$0x0], $0xffff;
	_ =	sdelay $0x4  }
0x7a: {  	[tilespmem:s20+$0x40] =	vst v0  }
0x7b: {  	v0 =	vld [tilespmem:s18+$0x50];
	_ =	sdelay $0x7  }
0x7c: {  	v0 =	vld.idx.msk [tilespmem:v0+s11+$0x0], $0xffff;
	_ =	sdelay $0x4  }
0x7d: {  	[tilespmem:s20+$0x50] =	vst v0  }
0x7e: {  	v0 =	vld [tilespmem:s18+$0x60];
	_ =	sdelay $0x7  }
0x7f: {  	v0 =	vld.idx.msk [tilespmem:v0+s11+$0x0], $0xffff;
	_ =	sdelay $0x4  }
0x80: {  	[tilespmem:s20+$0x60] =	vst v0  }
0x81: {  	v0 =	vld [tilespmem:s18+$0x70];
	_ =	sdelay $0x6  }
0x82: {  	s19 =	sadd.s32 $0x10, s19  }
0x83: {  	p0 =	slt.u32 s19, $0x1F0;
	v0 =	vld.idx.msk [tilespmem:v0+s11+$0x0], $0xffff  }
.Ltmp1:
0x84: {  	_ = 	snop;
	(pc) =	sbr.rel @p0 .LBB2_4-.Ltmp1, $2  }
0x85: {  	_ =	sdelay $0x2  }
0x86: {  	s18 =	sadd.s32 $0x100, s18;
	[tilespmem:s20+$0x70] =	vst v0;
	s20 =	sadd.s32 $0x100, s20  }
0x87: {  	[hbm4b:s7+s14] =	stream.strided.scatter [tilespmem:s15], [sflag:$0x2], $0x2000, s10, s14, $0x38;
	[tilespmem:$0x1E700] =	vst v63  }
0x88: {  	s17 =	sadd.s32 $0x1, s17  }
0x89: {  	_ =	swait.ge [sflag:s16], $0x2000;
	p0 =	sne.s32 s17, s8  }
.Ltmp2:
0x8a: {  	[sflag:s16] =	ssyncset.done $0x0;
	(pc) =	sbr.rel @p0 .LBB2_1-.Ltmp2, $4  }
0x8b: {  	[sflag:s16] =	ssyncadd.s32 $0xFFFFE000  }
0x8c: {  	_ =	swait.ge [sflag:s16], $0x2000  }
0x8d: {  	[sflag:s16] =	ssyncset.done $0x0  }
0x8e: {  	[sflag:s16] =	ssyncadd.s32 $0xFFFFE000  }
0x8f: {  	_ =	sfence.sel $0x180000  }
0x90: {  	[bflag:$0x0] =	sbarrier.arrive $0xFFFF  }
0x91: {  	p0 =	sne.s32 s2, $0x0;
	_ =	strace $0x90000047  }
0x92: {  	s0 =	sadd.s32 @!p0 $0x100000, s0;
	[bflag:$0x2] =	sbarrier.arrive $0xFFFF  }
0x93: {  	[sflag:s0] =	ssyncadd.tile.s32 @!p0 $0x1;
	_ =	shalt  }
.Lfunc_end2:
_tile_overlayer_lowered:
.L_overlay_start_2:
0x94: {  	(tag) =	ssettag $0x2  }
0x95: {  	s0 =	rddreg [dreg:$0x0];
	s2 =	stileid.u32  }
0x96: {  	s1 =	rddreg [dreg:$0x1];
	p0 =	sne.s32 s2, $0x0  }
0x97: {  	s3 =	rddreg [dreg:$0x2];
	[bflag:$0x3] =	sbarrier.arrive $0xFFFF;
	s2 =	simm.s32 @!p0 $0x1C03  }
0x98: {  	[timem:s3], [sflag:s2] =	dma.local @!p0 [hbm:s0], s1  }
0x99: {  	s0 =	simm.s32 @!p0 $0x3  }
0x9a: {  	_ =	swait.ge @!p0 [sflag:s0], s1  }
0x9b: {  	s1 =	ssub.s32 @!p0 $0x0, s1;
	[sflag:s0] =	ssyncset.done @!p0 $0x0  }
0x9c: {  	[sflag:s0] =	ssyncadd.s32 @!p0 s1  }
0x9d: {  	[bflag:$0x3] =	sbarrier.arrive $0xFFFF  }
0x9e: {  	_ =	shalt  }

</sc_bundles>
